<compile_context>
chip_gen: v7x
topology: tpu7x:2x2x1
jax: 0.10.2.dev20260603
libtpu: 0.0.44.dev20260713+nightly
codegen_flags: <defaults>
</compile_context>

<pallas_src>
import functools

import jax
import jax.numpy as jnp
from jax.experimental import pallas as pl
from jax.experimental.pallas import tpu as pltpu
from jax.experimental.pallas import tpu_sc as plsc

EPS = 1e-12


def _idx_kernel(z_ref, v_in_ref, g_in_ref, b_in_ref, cb_ref,
                idx3_ref, cbp_ref, *, n_codes):
    f32 = jnp.float32
    v_in = v_in_ref[...]
    w_in = g_in_ref[...] * v_in / jnp.maximum(
        jnp.sqrt(jnp.sum(v_in * v_in, axis=1, keepdims=True)), EPS)
    cb = cb_ref[...]
    cb_n = cb / jnp.maximum(
        jnp.sqrt(jnp.sum(cb * cb, axis=1, keepdims=True)), EPS)
    cb2 = jnp.sum(cb_n * cb_n, axis=1, keepdims=True)

    dc = cb.shape[1]
    cbp_ref[:, :dc] = cb
    cbp_ref[:, dc:] = jnp.zeros(
        (cb.shape[0], cbp_ref.shape[1] - dc), dtype=cb.dtype)

    tt = z_ref.shape[-1]

    zb = z_ref[0]
    ze = jnp.dot(w_in, zb, preferred_element_type=f32) + b_in_ref[...]
    nsq = jnp.sum(ze * ze, axis=0, keepdims=True)
    zen = ze / jnp.maximum(jnp.sqrt(nsq), EPS)
    enc2 = jnp.sum(zen * zen, axis=0, keepdims=True)
    m2 = jnp.dot(cb_n, 2.0 * zen, preferred_element_type=f32)
    scores = -((enc2 - m2) + cb2)
    mx = jnp.max(scores, axis=0, keepdims=True)
    iota_k = jax.lax.broadcasted_iota(jnp.int32, (n_codes, tt), 0)
    idx = jnp.min(jnp.where(scores == mx, iota_k, n_codes), axis=0)
    idx3_ref[0] = idx.reshape(tt // 128, 128)


def _out_kernel(zq_ref, v_out_ref, g_out_ref, b_out_ref, out_ref, *, batch):
    f32 = jnp.float32
    v_out = v_out_ref[...]
    dc = v_out.shape[1]
    w_out = g_out_ref[...] * v_out / jnp.maximum(
        jnp.sqrt(jnp.sum(v_out * v_out, axis=1, keepdims=True)), EPS)
    for b in range(batch):
        zq_b = zq_ref[b][:, :dc]
        out_ref[b] = jax.lax.dot_general(
            w_out, zq_b, (((1,), (1,)), ((), ())),
            preferred_element_type=f32) + b_out_ref[...]


def _sc_gather(cb_pad, idx_flat, n, batch, t_len):
    mesh = plsc.VectorSubcoreMesh(core_axis_name="c", subcore_axis_name="s")
    nw = 32
    b_per_w = n // nw
    chunk = 128
    n_chunks = b_per_w // chunk
    dcp = cb_pad.shape[1]
    w_per_b = t_len // b_per_w

    @functools.partial(
        pl.kernel, mesh=mesh,
        out_type=[
            jax.ShapeDtypeStruct((n, dcp), cb_pad.dtype),
            jax.ShapeDtypeStruct((batch, t_len), jnp.int32),
        ],
        scratch_types=[
            pltpu.VMEM((b_per_w,), jnp.int32),
            pltpu.VMEM((b_per_w, dcp), cb_pad.dtype),
            pltpu.SemaphoreType.DMA,
        ],
    )
    def gather_kernel(cb_hbm, idx_hbm, out_hbm, idx2_hbm, idx_v, rows_v, sem):
        wid = jax.lax.axis_index("s") * 2 + jax.lax.axis_index("c")
        pltpu.sync_copy(idx_hbm.at[pl.ds(wid * b_per_w, b_per_w)], idx_v)
        copies = []
        for c in range(n_chunks):
            copies.append(pltpu.async_copy(
                cb_hbm.at[idx_v.at[pl.ds(c * chunk, chunk)]],
                rows_v.at[pl.ds(c * chunk, chunk)], sem))
        b_row = wid // w_per_b
        t0 = (wid % w_per_b) * b_per_w
        for c in range(n_chunks):
            pltpu.sync_copy(
                idx_v.at[pl.ds(c * chunk, chunk)],
                idx2_hbm.at[b_row].at[pl.ds(t0 + c * chunk, chunk)])
        for cp in copies:
            cp.wait()
        pltpu.sync_copy(rows_v, out_hbm.at[pl.ds(wid * b_per_w, b_per_w)])

    return gather_kernel(cb_pad, idx_flat)


def kernel(z, v_in, g_in, b_in, codebook, v_out, g_out, b_out):
    B, Din, T = z.shape
    K, Dc = codebook.shape
    TT = 512
    grid = (T // TT,)
    full = lambda shape: pl.BlockSpec(shape, lambda t: (0,) * len(shape))

    idx3, cbp = pl.pallas_call(
        functools.partial(_idx_kernel, n_codes=K),
        grid=(B,),
        in_specs=[
            pl.BlockSpec((1, Din, T), lambda b: (b, 0, 0)),
            full((Dc, Din)),
            full((Dc, 1)),
            full((Dc, 1)),
            full((K, Dc)),
        ],
        out_specs=[
            pl.BlockSpec((1, T // 128, 128), lambda b: (b, 0, 0)),
            full((K, 128)),
        ],
        out_shape=[
            jax.ShapeDtypeStruct((B, T // 128, 128), jnp.int32),
            jax.ShapeDtypeStruct((K, 128), jnp.float32),
        ],
        compiler_params=pltpu.CompilerParams(
            dimension_semantics=("arbitrary",)),
    )(z, v_in, g_in.reshape(Dc, 1), b_in.reshape(Dc, 1), codebook)

    zq, idx = _sc_gather(cbp, idx3.reshape(B * T), B * T, B, T)
    DcP = zq.shape[-1]

    out = pl.pallas_call(
        functools.partial(_out_kernel, batch=B),
        grid=grid,
        in_specs=[
            pl.BlockSpec((B, TT, DcP), lambda t: (0, t, 0)),
            full((Din, Dc)),
            full((Din, 1)),
            full((Din, 1)),
        ],
        out_specs=pl.BlockSpec((B, Din, TT), lambda t: (0, 0, t)),
        out_shape=jax.ShapeDtypeStruct((B, Din, T), jnp.float32),
        compiler_params=pltpu.CompilerParams(
            dimension_semantics=("arbitrary",)),
    )(zq.reshape(B, T, DcP), v_out, g_out.reshape(Din, 1),
      b_out.reshape(Din, 1))
    return out, idx

# --- scband reference (transcript-rebuilt; emitter-appended) ---
"""Pipeline reference for scband-vector-quantize-85564338471333 (READ-ONLY COPY).

The authoritative reference and input builder live on the scoring server;
editing this copy changes nothing except your own understanding.
"""

import jax, jax.numpy as jnp
import numpy as np

EPS = 1e-12

def _weight_norm(v, g):
    # torch weight_norm on Conv1d weight [out, in, 1] with dim=0:
    # w = g * v / ||v|| where norm is per output row over (in, kernel)
    norm = jnp.sqrt(jnp.sum(v * v, axis=1, keepdims=True))
    return g[:, None] * v / jnp.maximum(norm, EPS)

def _normalize(x):
    # F.normalize(x, dim=1) semantics with eps=1e-12
    n = jnp.linalg.norm(x, axis=1, keepdims=True)
    return x / jnp.maximum(n, EPS)

def setup_inputs(seed: int = 0) -> dict:
    key = jax.random.key(seed)
    ks = jax.random.split(key, 6)
    B, Din, T = 8, 768, 2048
    K, Dc = 1024, 64
    z = jax.random.normal(ks[0], (B, Din, T), dtype=jnp.float32)
    # in_proj (1x1 conv == linear): weight_norm params v, g and bias
    v_in = jax.random.normal(ks[1], (Dc, Din), dtype=jnp.float32) * (1.0 / np.sqrt(Din))
    g_in = jnp.sqrt(jnp.sum(v_in * v_in, axis=1))  # g initialized to ||v|| as in torch
    b_in = jnp.zeros((Dc,), dtype=jnp.float32)
    # codebook (nn.Embedding default init: N(0,1))
    codebook = jax.random.normal(ks[2], (K, Dc), dtype=jnp.float32)
    # out_proj
    v_out = jax.random.normal(ks[3], (Din, Dc), dtype=jnp.float32) * (1.0 / np.sqrt(Dc))
    g_out = jnp.sqrt(jnp.sum(v_out * v_out, axis=1))
    b_out = jnp.zeros((Din,), dtype=jnp.float32)
    return {"z": z, "v_in": v_in, "g_in": g_in, "b_in": b_in,
            "codebook": codebook, "v_out": v_out, "g_out": g_out, "b_out": b_out}

def reference(z, v_in, g_in, b_in, codebook, v_out, g_out, b_out):
    # in_proj: 1x1 conv over [B, Din, T]
    W_in = _weight_norm(v_in, g_in)                      # [Dc, Din]
    z_e = jnp.einsum('od,bdt->bot', W_in, z) + b_in[None, :, None]  # [B, Dc, T]
    B, Dc, T = z_e.shape
    # decode_latents
    encodings = jnp.transpose(z_e, (0, 2, 1)).reshape(B * T, Dc)  # (b t) d
    enc_n = _normalize(encodings)
    cb_n = _normalize(codebook)
    dist = (jnp.sum(enc_n * enc_n, axis=1, keepdims=True)
            - 2.0 * enc_n @ cb_n.T
            + jnp.sum(cb_n * cb_n, axis=1)[None, :])
    indices = jnp.argmax(-dist, axis=1).reshape(B, T)    # [B, T]
    z_q = jnp.take(codebook, indices, axis=0)            # [B, T, Dc] (embedding gather)
    z_q = jnp.transpose(z_q, (0, 2, 1))                  # [B, Dc, T]
    # straight-through estimator
    z_q = z_e + jax.lax.stop_gradient(z_q - z_e)
    # out_proj
    W_out = _weight_norm(v_out, g_out)                   # [Din, Dc]
    out = jnp.einsum('od,bdt->bot', W_out, z_q) + b_out[None, :, None]
    return out, indices

if __name__ == "__main__":
    import jax
    _d = setup_inputs()
    print(jax.jit(kernel)(*tuple(_d.values())))

</pallas_src>

<mosaic_0001>
#map = affine_map<(d0, d1) -> (0, 0)>
#map1 = affine_map<(d0, d1) -> (0)>
module attributes {stable_mosaic.version = 14 : i64} {
  func.func @gather_kernel(%arg0: i32, %arg1: i32, %arg2: memref<1024x128xf32, #tpu.memory_space<hbm>>, %arg3: memref<16384xi32, #tpu.memory_space<hbm>>, %arg4: memref<16384x128xf32, #tpu.memory_space<hbm>>, %arg5: memref<8x2048xi32, #tpu.memory_space<hbm>>, %arg6: memref<512xi32, #tpu.memory_space<vmem>>, %arg7: memref<512x128xf32, #tpu.memory_space<vmem>>, %arg8: memref<!tpu.dma_semaphore, #tpu.memory_space<semaphore_mem>>) attributes {dimension_semantics = [#tpu.dimension_semantics<core_parallel>, #tpu.dimension_semantics<subcore_parallel>], iteration_bounds = array<i64: 2, 16>, scalar_prefetch = 0 : i64, scratch_operands = 3 : i64, tpu.core_type = #tpu.core_type<sc_vector_subcore>, window_params = [{transform_indices = #map}, {transform_indices = #map1}, {transform_indices = #map}, {transform_indices = #map}]} {
    %mul3A = arith.constant 2 : i32
    %mul3A_0 = arith.muli %arg1, %mul3A : i32
    %add3A = arith.addi %mul3A_0, %arg0 : i32
    %mul3A_1 = arith.constant 512 : i32
    %mul3A_2 = arith.muli %add3A, %mul3A_1 : i32
    "tpu.region"() ({
      %run_scoped3A = tpu.sem_alloc : memref<!tpu.dma_semaphore, #tpu.memory_space<semaphore_mem>>
      %dma_start3A_107 = tpu.memref_slice %arg3[%mul3A_2] : memref<16384xi32, #tpu.memory_space<hbm>> -> memref<512xi32, #tpu.memory_space<hbm>>
      %dma_start3A_108 = tpu.memref_slice %arg3[%mul3A_2] : memref<16384xi32, #tpu.memory_space<hbm>> -> memref<512xi32, #tpu.memory_space<hbm>>
      tpu.enqueue_dma source(%dma_start3A_108 : memref<512xi32, #tpu.memory_space<hbm>>) target(%arg6 : memref<512xi32, #tpu.memory_space<vmem>>) target_semaphore(%run_scoped3A : memref<!tpu.dma_semaphore, #tpu.memory_space<semaphore_mem>>)
      %dma_wait3A_109 = tpu.memref_slice %arg3[%mul3A_2] : memref<16384xi32, #tpu.memory_space<hbm>> -> memref<512xi32, #tpu.memory_space<hbm>>
      %dma_wait3A_110 = tpu.memref_slice %arg3[%mul3A_2] : memref<16384xi32, #tpu.memory_space<hbm>> -> memref<512xi32, #tpu.memory_space<hbm>>
      tpu.wait_dma2 semaphore(%run_scoped3A : memref<!tpu.dma_semaphore, #tpu.memory_space<semaphore_mem>>) src(%dma_wait3A_110 : memref<512xi32, #tpu.memory_space<hbm>>) dst(%arg6 : memref<512xi32, #tpu.memory_space<vmem>>)
      tpu.yield
    }) : () -> ()
    %dma_start3A = arith.constant 0 : i32
    %dma_start3A_3 = arith.constant 0 : i32
    %dma_start3A_4 = tpu.memref_slice %arg7[%dma_start3A, %dma_start3A_3] : memref<512x128xf32, #tpu.memory_space<vmem>> -> memref<128x128xf32, #tpu.memory_space<vmem>>
    %dma_start3A_5 = arith.constant 0 : i32
    %dma_start3A_6 = tpu.memref_slice %arg6[%dma_start3A_5] : memref<512xi32, #tpu.memory_space<vmem>> -> memref<128xi32, #tpu.memory_space<vmem>>
    %dma_start3A_7 = arith.constant 0 : i32
    %dma_start3A_8 = arith.constant 0 : i32
    %dma_start3A_9 = tpu.memref_slice %arg2[%dma_start3A_7, %dma_start3A_8] : memref<1024x128xf32, #tpu.memory_space<hbm>> -> memref<1024x128xf32, #tpu.memory_space<hbm>>
    tpu.enqueue_indirect_dma source(%dma_start3A_9 : memref<1024x128xf32, #tpu.memory_space<hbm>>) target(%dma_start3A_4 : memref<128x128xf32, #tpu.memory_space<vmem>>) offsets(%dma_start3A_6 : memref<128xi32, #tpu.memory_space<vmem>>) semaphore(%arg8 : memref<!tpu.dma_semaphore, #tpu.memory_space<semaphore_mem>>)
    %dma_start3A_10 = arith.constant 128 : i32
    %dma_start3A_11 = arith.constant 0 : i32
    %dma_start3A_12 = tpu.memref_slice %arg7[%dma_start3A_10, %dma_start3A_11] : memref<512x128xf32, #tpu.memory_space<vmem>> -> memref<128x128xf32, #tpu.memory_space<vmem>>
    %dma_start3A_13 = arith.constant 128 : i32
    %dma_start3A_14 = tpu.memref_slice %arg6[%dma_start3A_13] : memref<512xi32, #tpu.memory_space<vmem>> -> memref<128xi32, #tpu.memory_space<vmem>>
    %dma_start3A_15 = arith.constant 0 : i32
    %dma_start3A_16 = arith.constant 0 : i32
    %dma_start3A_17 = tpu.memref_slice %arg2[%dma_start3A_15, %dma_start3A_16] : memref<1024x128xf32, #tpu.memory_space<hbm>> -> memref<1024x128xf32, #tpu.memory_space<hbm>>
    tpu.enqueue_indirect_dma source(%dma_start3A_17 : memref<1024x128xf32, #tpu.memory_space<hbm>>) target(%dma_start3A_12 : memref<128x128xf32, #tpu.memory_space<vmem>>) offsets(%dma_start3A_14 : memref<128xi32, #tpu.memory_space<vmem>>) semaphore(%arg8 : memref<!tpu.dma_semaphore, #tpu.memory_space<semaphore_mem>>)
    %dma_start3A_18 = arith.constant 256 : i32
    %dma_start3A_19 = arith.constant 0 : i32
    %dma_start3A_20 = tpu.memref_slice %arg7[%dma_start3A_18, %dma_start3A_19] : memref<512x128xf32, #tpu.memory_space<vmem>> -> memref<128x128xf32, #tpu.memory_space<vmem>>
    %dma_start3A_21 = arith.constant 256 : i32
    %dma_start3A_22 = tpu.memref_slice %arg6[%dma_start3A_21] : memref<512xi32, #tpu.memory_space<vmem>> -> memref<128xi32, #tpu.memory_space<vmem>>
    %dma_start3A_23 = arith.constant 0 : i32
    %dma_start3A_24 = arith.constant 0 : i32
    %dma_start3A_25 = tpu.memref_slice %arg2[%dma_start3A_23, %dma_start3A_24] : memref<1024x128xf32, #tpu.memory_space<hbm>> -> memref<1024x128xf32, #tpu.memory_space<hbm>>
    tpu.enqueue_indirect_dma source(%dma_start3A_25 : memref<1024x128xf32, #tpu.memory_space<hbm>>) target(%dma_start3A_20 : memref<128x128xf32, #tpu.memory_space<vmem>>) offsets(%dma_start3A_22 : memref<128xi32, #tpu.memory_space<vmem>>) semaphore(%arg8 : memref<!tpu.dma_semaphore, #tpu.memory_space<semaphore_mem>>)
    %dma_start3A_26 = arith.constant 384 : i32
    %dma_start3A_27 = arith.constant 0 : i32
    %dma_start3A_28 = tpu.memref_slice %arg7[%dma_start3A_26, %dma_start3A_27] : memref<512x128xf32, #tpu.memory_space<vmem>> -> memref<128x128xf32, #tpu.memory_space<vmem>>
    %dma_start3A_29 = arith.constant 384 : i32
    %dma_start3A_30 = tpu.memref_slice %arg6[%dma_start3A_29] : memref<512xi32, #tpu.memory_space<vmem>> -> memref<128xi32, #tpu.memory_space<vmem>>
    %dma_start3A_31 = arith.constant 0 : i32
    %dma_start3A_32 = arith.constant 0 : i32
    %dma_start3A_33 = tpu.memref_slice %arg2[%dma_start3A_31, %dma_start3A_32] : memref<1024x128xf32, #tpu.memory_space<hbm>> -> memref<1024x128xf32, #tpu.memory_space<hbm>>
    tpu.enqueue_indirect_dma source(%dma_start3A_33 : memref<1024x128xf32, #tpu.memory_space<hbm>>) target(%dma_start3A_28 : memref<128x128xf32, #tpu.memory_space<vmem>>) offsets(%dma_start3A_30 : memref<128xi32, #tpu.memory_space<vmem>>) semaphore(%arg8 : memref<!tpu.dma_semaphore, #tpu.memory_space<semaphore_mem>>)
    %jit3A = arith.constant 4 : i32
    %div3A = arith.divsi %add3A, %jit3A : i32
    %sign3A = arith.constant 0 : i32
    %sign3A_34 = arith.cmpi sgt, %add3A, %sign3A : i32
    %sign3A_35 = arith.extui %sign3A_34 : i1 to i32
    %sign3A_36 = arith.constant 0 : i32
    %sign3A_37 = arith.cmpi slt, %add3A, %sign3A_36 : i32
    %sign3A_38 = arith.extui %sign3A_37 : i1 to i32
    %sign3A_39 = arith.subi %sign3A_35, %sign3A_38 : i32
    %sign3A_40 = arith.constant 0 : i32
    %sign3A_41 = arith.cmpi sgt, %jit3A, %sign3A_40 : i32
    %sign3A_42 = arith.extui %sign3A_41 : i1 to i32
    %sign3A_43 = arith.constant 0 : i32
    %sign3A_44 = arith.cmpi slt, %jit3A, %sign3A_43 : i32
    %sign3A_45 = arith.extui %sign3A_44 : i1 to i32
    %sign3A_46 = arith.subi %sign3A_42, %sign3A_45 : i32
    %ne3A = arith.cmpi ne, %sign3A_39, %sign3A_46 : i32
    %rem3A = arith.remsi %add3A, %jit3A : i32
    %ne3A_47 = arith.constant 0 : i32
    %ne3A_48 = arith.cmpi ne, %rem3A, %ne3A_47 : i32
    %and3A = arith.andi %ne3A, %ne3A_48 : i1
    %sub3A = arith.constant 1 : i32
    %sub3A_49 = arith.subi %div3A, %sub3A : i32
    %select_n3A = arith.select %and3A, %sub3A_49, %div3A : i32
    %jit3A_50 = arith.constant 4 : i32
    %eq3A = arith.constant 0 : i32
    %eq3A_51 = arith.cmpi eq, %jit3A_50, %eq3A : i32
    %jit3A_52 = arith.constant 1 : i32
    %select_n3A_53 = arith.select %eq3A_51, %jit3A_52, %jit3A_50 : i32
    %rem3A_54 = arith.remsi %add3A, %select_n3A_53 : i32
    %ne3A_55 = arith.constant 0 : i32
    %ne3A_56 = arith.cmpi ne, %rem3A_54, %ne3A_55 : i32
    %lt3A = arith.constant 0 : i32
    %lt3A_57 = arith.cmpi slt, %rem3A_54, %lt3A : i32
    %lt3A_58 = arith.constant 0 : i32
    %lt3A_59 = arith.cmpi slt, %select_n3A_53, %lt3A_58 : i32
    %ne3A_60 = arith.xori %lt3A_57, %lt3A_59 : i1
    %and3A_61 = arith.andi %ne3A_60, %ne3A_56 : i1
    %add3A_62 = arith.addi %rem3A_54, %select_n3A_53 : i32
    %select_n3A_63 = arith.select %and3A_61, %add3A_62, %rem3A_54 : i32
    %mul3A_64 = arith.constant 512 : i32
    %mul3A_65 = arith.muli %select_n3A_63, %mul3A_64 : i32
    %add3A_66 = arith.constant 0 : i32
    %add3A_67 = arith.addi %mul3A_65, %add3A_66 : i32
    "tpu.region"() ({
      %run_scoped3A = tpu.sem_alloc : memref<!tpu.dma_semaphore, #tpu.memory_space<semaphore_mem>>
      %dma_start3A_107 = arith.constant 0 : i32
      %dma_start3A_108 = tpu.memref_slice %arg6[%dma_start3A_107] : memref<512xi32, #tpu.memory_space<vmem>> -> memref<128xi32, #tpu.memory_space<vmem>>
      %dma_start3A_109 = arith.constant 0 : i32
      %dma_start3A_110 = tpu.memref_slice %arg5[%select_n3A, %dma_start3A_109] : memref<8x2048xi32, #tpu.memory_space<hbm>> -> memref<1x2048xi32, #tpu.memory_space<hbm>>
      %dma_start3A_111 = tpu.memref_squeeze %dma_start3A_110 : memref<1x2048xi32, #tpu.memory_space<hbm>> -> memref<2048xi32, #tpu.memory_space<hbm>>
      %dma_start3A_112 = tpu.memref_slice %dma_start3A_111[%add3A_67] : memref<2048xi32, #tpu.memory_space<hbm>> -> memref<128xi32, #tpu.memory_space<hbm>>
      %dma_start3A_113 = arith.constant 0 : i32
      %dma_start3A_114 = tpu.memref_slice %arg5[%select_n3A, %dma_start3A_113] : memref<8x2048xi32, #tpu.memory_space<hbm>> -> memref<1x2048xi32, #tpu.memory_space<hbm>>
      %dma_start3A_115 = tpu.memref_squeeze %dma_start3A_114 : memref<1x2048xi32, #tpu.memory_space<hbm>> -> memref<2048xi32, #tpu.memory_space<hbm>>
      %dma_start3A_116 = tpu.memref_slice %dma_start3A_115[%add3A_67] : memref<2048xi32, #tpu.memory_space<hbm>> -> memref<128xi32, #tpu.memory_space<hbm>>
      %dma_start3A_117 = arith.constant 0 : i32
      %dma_start3A_118 = tpu.memref_slice %arg6[%dma_start3A_117] : memref<512xi32, #tpu.memory_space<vmem>> -> memref<128xi32, #tpu.memory_space<vmem>>
      tpu.enqueue_dma source(%dma_start3A_118 : memref<128xi32, #tpu.memory_space<vmem>>) target(%dma_start3A_116 : memref<128xi32, #tpu.memory_space<hbm>>) target_semaphore(%run_scoped3A : memref<!tpu.dma_semaphore, #tpu.memory_space<semaphore_mem>>)
      %dma_wait3A_119 = arith.constant 0 : i32
      %dma_wait3A_120 = tpu.memref_slice %arg6[%dma_wait3A_119] : memref<512xi32, #tpu.memory_space<vmem>> -> memref<128xi32, #tpu.memory_space<vmem>>
      %dma_wait3A_121 = arith.constant 0 : i32
      %dma_wait3A_122 = tpu.memref_slice %arg5[%select_n3A, %dma_wait3A_121] : memref<8x2048xi32, #tpu.memory_space<hbm>> -> memref<1x2048xi32, #tpu.memory_space<hbm>>
      %dma_wait3A_123 = tpu.memref_squeeze %dma_wait3A_122 : memref<1x2048xi32, #tpu.memory_space<hbm>> -> memref<2048xi32, #tpu.memory_space<hbm>>
      %dma_wait3A_124 = tpu.memref_slice %dma_wait3A_123[%add3A_67] : memref<2048xi32, #tpu.memory_space<hbm>> -> memref<128xi32, #tpu.memory_space<hbm>>
      %dma_wait3A_125 = arith.constant 0 : i32
      %dma_wait3A_126 = tpu.memref_slice %arg5[%select_n3A, %dma_wait3A_125] : memref<8x2048xi32, #tpu.memory_space<hbm>> -> memref<1x2048xi32, #tpu.memory_space<hbm>>
      %dma_wait3A_127 = tpu.memref_squeeze %dma_wait3A_126 : memref<1x2048xi32, #tpu.memory_space<hbm>> -> memref<2048xi32, #tpu.memory_space<hbm>>
      %dma_wait3A_128 = tpu.memref_slice %dma_wait3A_127[%add3A_67] : memref<2048xi32, #tpu.memory_space<hbm>> -> memref<128xi32, #tpu.memory_space<hbm>>
      %dma_wait3A_129 = arith.constant 0 : i32
      %dma_wait3A_130 = tpu.memref_slice %arg6[%dma_wait3A_129] : memref<512xi32, #tpu.memory_space<vmem>> -> memref<128xi32, #tpu.memory_space<vmem>>
      tpu.wait_dma2 semaphore(%run_scoped3A : memref<!tpu.dma_semaphore, #tpu.memory_space<semaphore_mem>>) src(%dma_wait3A_130 : memref<128xi32, #tpu.memory_space<vmem>>) dst(%dma_wait3A_128 : memref<128xi32, #tpu.memory_space<hbm>>)
      tpu.yield
    }) : () -> ()
    %add3A_68 = arith.constant 128 : i32
    %add3A_69 = arith.addi %mul3A_65, %add3A_68 : i32
    "tpu.region"() ({
      %run_scoped3A = tpu.sem_alloc : memref<!tpu.dma_semaphore, #tpu.memory_space<semaphore_mem>>
      %dma_start3A_107 = arith.constant 128 : i32
      %dma_start3A_108 = tpu.memref_slice %arg6[%dma_start3A_107] : memref<512xi32, #tpu.memory_space<vmem>> -> memref<128xi32, #tpu.memory_space<vmem>>
      %dma_start3A_109 = arith.constant 0 : i32
      %dma_start3A_110 = tpu.memref_slice %arg5[%select_n3A, %dma_start3A_109] : memref<8x2048xi32, #tpu.memory_space<hbm>> -> memref<1x2048xi32, #tpu.memory_space<hbm>>
      %dma_start3A_111 = tpu.memref_squeeze %dma_start3A_110 : memref<1x2048xi32, #tpu.memory_space<hbm>> -> memref<2048xi32, #tpu.memory_space<hbm>>
      %dma_start3A_112 = tpu.memref_slice %dma_start3A_111[%add3A_69] : memref<2048xi32, #tpu.memory_space<hbm>> -> memref<128xi32, #tpu.memory_space<hbm>>
      %dma_start3A_113 = arith.constant 0 : i32
      %dma_start3A_114 = tpu.memref_slice %arg5[%select_n3A, %dma_start3A_113] : memref<8x2048xi32, #tpu.memory_space<hbm>> -> memref<1x2048xi32, #tpu.memory_space<hbm>>
      %dma_start3A_115 = tpu.memref_squeeze %dma_start3A_114 : memref<1x2048xi32, #tpu.memory_space<hbm>> -> memref<2048xi32, #tpu.memory_space<hbm>>
      %dma_start3A_116 = tpu.memref_slice %dma_start3A_115[%add3A_69] : memref<2048xi32, #tpu.memory_space<hbm>> -> memref<128xi32, #tpu.memory_space<hbm>>
      %dma_start3A_117 = arith.constant 128 : i32
      %dma_start3A_118 = tpu.memref_slice %arg6[%dma_start3A_117] : memref<512xi32, #tpu.memory_space<vmem>> -> memref<128xi32, #tpu.memory_space<vmem>>
      tpu.enqueue_dma source(%dma_start3A_118 : memref<128xi32, #tpu.memory_space<vmem>>) target(%dma_start3A_116 : memref<128xi32, #tpu.memory_space<hbm>>) target_semaphore(%run_scoped3A : memref<!tpu.dma_semaphore, #tpu.memory_space<semaphore_mem>>)
      %dma_wait3A_119 = arith.constant 128 : i32
      %dma_wait3A_120 = tpu.memref_slice %arg6[%dma_wait3A_119] : memref<512xi32, #tpu.memory_space<vmem>> -> memref<128xi32, #tpu.memory_space<vmem>>
      %dma_wait3A_121 = arith.constant 0 : i32
      %dma_wait3A_122 = tpu.memref_slice %arg5[%select_n3A, %dma_wait3A_121] : memref<8x2048xi32, #tpu.memory_space<hbm>> -> memref<1x2048xi32, #tpu.memory_space<hbm>>
      %dma_wait3A_123 = tpu.memref_squeeze %dma_wait3A_122 : memref<1x2048xi32, #tpu.memory_space<hbm>> -> memref<2048xi32, #tpu.memory_space<hbm>>
      %dma_wait3A_124 = tpu.memref_slice %dma_wait3A_123[%add3A_69] : memref<2048xi32, #tpu.memory_space<hbm>> -> memref<128xi32, #tpu.memory_space<hbm>>
      %dma_wait3A_125 = arith.constant 0 : i32
      %dma_wait3A_126 = tpu.memref_slice %arg5[%select_n3A, %dma_wait3A_125] : memref<8x2048xi32, #tpu.memory_space<hbm>> -> memref<1x2048xi32, #tpu.memory_space<hbm>>
      %dma_wait3A_127 = tpu.memref_squeeze %dma_wait3A_126 : memref<1x2048xi32, #tpu.memory_space<hbm>> -> memref<2048xi32, #tpu.memory_space<hbm>>
      %dma_wait3A_128 = tpu.memref_slice %dma_wait3A_127[%add3A_69] : memref<2048xi32, #tpu.memory_space<hbm>> -> memref<128xi32, #tpu.memory_space<hbm>>
      %dma_wait3A_129 = arith.constant 128 : i32
      %dma_wait3A_130 = tpu.memref_slice %arg6[%dma_wait3A_129] : memref<512xi32, #tpu.memory_space<vmem>> -> memref<128xi32, #tpu.memory_space<vmem>>
      tpu.wait_dma2 semaphore(%run_scoped3A : memref<!tpu.dma_semaphore, #tpu.memory_space<semaphore_mem>>) src(%dma_wait3A_130 : memref<128xi32, #tpu.memory_space<vmem>>) dst(%dma_wait3A_128 : memref<128xi32, #tpu.memory_space<hbm>>)
      tpu.yield
    }) : () -> ()
    %add3A_70 = arith.constant 256 : i32
    %add3A_71 = arith.addi %mul3A_65, %add3A_70 : i32
    "tpu.region"() ({
      %run_scoped3A = tpu.sem_alloc : memref<!tpu.dma_semaphore, #tpu.memory_space<semaphore_mem>>
      %dma_start3A_107 = arith.constant 256 : i32
      %dma_start3A_108 = tpu.memref_slice %arg6[%dma_start3A_107] : memref<512xi32, #tpu.memory_space<vmem>> -> memref<128xi32, #tpu.memory_space<vmem>>
      %dma_start3A_109 = arith.constant 0 : i32
      %dma_start3A_110 = tpu.memref_slice %arg5[%select_n3A, %dma_start3A_109] : memref<8x2048xi32, #tpu.memory_space<hbm>> -> memref<1x2048xi32, #tpu.memory_space<hbm>>
      %dma_start3A_111 = tpu.memref_squeeze %dma_start3A_110 : memref<1x2048xi32, #tpu.memory_space<hbm>> -> memref<2048xi32, #tpu.memory_space<hbm>>
      %dma_start3A_112 = tpu.memref_slice %dma_start3A_111[%add3A_71] : memref<2048xi32, #tpu.memory_space<hbm>> -> memref<128xi32, #tpu.memory_space<hbm>>
      %dma_start3A_113 = arith.constant 0 : i32
      %dma_start3A_114 = tpu.memref_slice %arg5[%select_n3A, %dma_start3A_113] : memref<8x2048xi32, #tpu.memory_space<hbm>> -> memref<1x2048xi32, #tpu.memory_space<hbm>>
      %dma_start3A_115 = tpu.memref_squeeze %dma_start3A_114 : memref<1x2048xi32, #tpu.memory_space<hbm>> -> memref<2048xi32, #tpu.memory_space<hbm>>
      %dma_start3A_116 = tpu.memref_slice %dma_start3A_115[%add3A_71] : memref<2048xi32, #tpu.memory_space<hbm>> -> memref<128xi32, #tpu.memory_space<hbm>>
      %dma_start3A_117 = arith.constant 256 : i32
      %dma_start3A_118 = tpu.memref_slice %arg6[%dma_start3A_117] : memref<512xi32, #tpu.memory_space<vmem>> -> memref<128xi32, #tpu.memory_space<vmem>>
      tpu.enqueue_dma source(%dma_start3A_118 : memref<128xi32, #tpu.memory_space<vmem>>) target(%dma_start3A_116 : memref<128xi32, #tpu.memory_space<hbm>>) target_semaphore(%run_scoped3A : memref<!tpu.dma_semaphore, #tpu.memory_space<semaphore_mem>>)
      %dma_wait3A_119 = arith.constant 256 : i32
      %dma_wait3A_120 = tpu.memref_slice %arg6[%dma_wait3A_119] : memref<512xi32, #tpu.memory_space<vmem>> -> memref<128xi32, #tpu.memory_space<vmem>>
      %dma_wait3A_121 = arith.constant 0 : i32
      %dma_wait3A_122 = tpu.memref_slice %arg5[%select_n3A, %dma_wait3A_121] : memref<8x2048xi32, #tpu.memory_space<hbm>> -> memref<1x2048xi32, #tpu.memory_space<hbm>>
      %dma_wait3A_123 = tpu.memref_squeeze %dma_wait3A_122 : memref<1x2048xi32, #tpu.memory_space<hbm>> -> memref<2048xi32, #tpu.memory_space<hbm>>
      %dma_wait3A_124 = tpu.memref_slice %dma_wait3A_123[%add3A_71] : memref<2048xi32, #tpu.memory_space<hbm>> -> memref<128xi32, #tpu.memory_space<hbm>>
      %dma_wait3A_125 = arith.constant 0 : i32
      %dma_wait3A_126 = tpu.memref_slice %arg5[%select_n3A, %dma_wait3A_125] : memref<8x2048xi32, #tpu.memory_space<hbm>> -> memref<1x2048xi32, #tpu.memory_space<hbm>>
      %dma_wait3A_127 = tpu.memref_squeeze %dma_wait3A_126 : memref<1x2048xi32, #tpu.memory_space<hbm>> -> memref<2048xi32, #tpu.memory_space<hbm>>
      %dma_wait3A_128 = tpu.memref_slice %dma_wait3A_127[%add3A_71] : memref<2048xi32, #tpu.memory_space<hbm>> -> memref<128xi32, #tpu.memory_space<hbm>>
      %dma_wait3A_129 = arith.constant 256 : i32
      %dma_wait3A_130 = tpu.memref_slice %arg6[%dma_wait3A_129] : memref<512xi32, #tpu.memory_space<vmem>> -> memref<128xi32, #tpu.memory_space<vmem>>
      tpu.wait_dma2 semaphore(%run_scoped3A : memref<!tpu.dma_semaphore, #tpu.memory_space<semaphore_mem>>) src(%dma_wait3A_130 : memref<128xi32, #tpu.memory_space<vmem>>) dst(%dma_wait3A_128 : memref<128xi32, #tpu.memory_space<hbm>>)
      tpu.yield
    }) : () -> ()
    %add3A_72 = arith.constant 384 : i32
    %add3A_73 = arith.addi %mul3A_65, %add3A_72 : i32
    "tpu.region"() ({
      %run_scoped3A = tpu.sem_alloc : memref<!tpu.dma_semaphore, #tpu.memory_space<semaphore_mem>>
      %dma_start3A_107 = arith.constant 384 : i32
      %dma_start3A_108 = tpu.memref_slice %arg6[%dma_start3A_107] : memref<512xi32, #tpu.memory_space<vmem>> -> memref<128xi32, #tpu.memory_space<vmem>>
      %dma_start3A_109 = arith.constant 0 : i32
      %dma_start3A_110 = tpu.memref_slice %arg5[%select_n3A, %dma_start3A_109] : memref<8x2048xi32, #tpu.memory_space<hbm>> -> memref<1x2048xi32, #tpu.memory_space<hbm>>
      %dma_start3A_111 = tpu.memref_squeeze %dma_start3A_110 : memref<1x2048xi32, #tpu.memory_space<hbm>> -> memref<2048xi32, #tpu.memory_space<hbm>>
      %dma_start3A_112 = tpu.memref_slice %dma_start3A_111[%add3A_73] : memref<2048xi32, #tpu.memory_space<hbm>> -> memref<128xi32, #tpu.memory_space<hbm>>
      %dma_start3A_113 = arith.constant 0 : i32
      %dma_start3A_114 = tpu.memref_slice %arg5[%select_n3A, %dma_start3A_113] : memref<8x2048xi32, #tpu.memory_space<hbm>> -> memref<1x2048xi32, #tpu.memory_space<hbm>>
      %dma_start3A_115 = tpu.memref_squeeze %dma_start3A_114 : memref<1x2048xi32, #tpu.memory_space<hbm>> -> memref<2048xi32, #tpu.memory_space<hbm>>
      %dma_start3A_116 = tpu.memref_slice %dma_start3A_115[%add3A_73] : memref<2048xi32, #tpu.memory_space<hbm>> -> memref<128xi32, #tpu.memory_space<hbm>>
      %dma_start3A_117 = arith.constant 384 : i32
      %dma_start3A_118 = tpu.memref_slice %arg6[%dma_start3A_117] : memref<512xi32, #tpu.memory_space<vmem>> -> memref<128xi32, #tpu.memory_space<vmem>>
      tpu.enqueue_dma source(%dma_start3A_118 : memref<128xi32, #tpu.memory_space<vmem>>) target(%dma_start3A_116 : memref<128xi32, #tpu.memory_space<hbm>>) target_semaphore(%run_scoped3A : memref<!tpu.dma_semaphore, #tpu.memory_space<semaphore_mem>>)
      %dma_wait3A_119 = arith.constant 384 : i32
      %dma_wait3A_120 = tpu.memref_slice %arg6[%dma_wait3A_119] : memref<512xi32, #tpu.memory_space<vmem>> -> memref<128xi32, #tpu.memory_space<vmem>>
      %dma_wait3A_121 = arith.constant 0 : i32
      %dma_wait3A_122 = tpu.memref_slice %arg5[%select_n3A, %dma_wait3A_121] : memref<8x2048xi32, #tpu.memory_space<hbm>> -> memref<1x2048xi32, #tpu.memory_space<hbm>>
      %dma_wait3A_123 = tpu.memref_squeeze %dma_wait3A_122 : memref<1x2048xi32, #tpu.memory_space<hbm>> -> memref<2048xi32, #tpu.memory_space<hbm>>
      %dma_wait3A_124 = tpu.memref_slice %dma_wait3A_123[%add3A_73] : memref<2048xi32, #tpu.memory_space<hbm>> -> memref<128xi32, #tpu.memory_space<hbm>>
      %dma_wait3A_125 = arith.constant 0 : i32
      %dma_wait3A_126 = tpu.memref_slice %arg5[%select_n3A, %dma_wait3A_125] : memref<8x2048xi32, #tpu.memory_space<hbm>> -> memref<1x2048xi32, #tpu.memory_space<hbm>>
      %dma_wait3A_127 = tpu.memref_squeeze %dma_wait3A_126 : memref<1x2048xi32, #tpu.memory_space<hbm>> -> memref<2048xi32, #tpu.memory_space<hbm>>
      %dma_wait3A_128 = tpu.memref_slice %dma_wait3A_127[%add3A_73] : memref<2048xi32, #tpu.memory_space<hbm>> -> memref<128xi32, #tpu.memory_space<hbm>>
      %dma_wait3A_129 = arith.constant 384 : i32
      %dma_wait3A_130 = tpu.memref_slice %arg6[%dma_wait3A_129] : memref<512xi32, #tpu.memory_space<vmem>> -> memref<128xi32, #tpu.memory_space<vmem>>
      tpu.wait_dma2 semaphore(%run_scoped3A : memref<!tpu.dma_semaphore, #tpu.memory_space<semaphore_mem>>) src(%dma_wait3A_130 : memref<128xi32, #tpu.memory_space<vmem>>) dst(%dma_wait3A_128 : memref<128xi32, #tpu.memory_space<hbm>>)
      tpu.yield
    }) : () -> ()
    %dma_wait3A = arith.constant 0 : i32
    %dma_wait3A_74 = arith.constant 0 : i32
    %dma_wait3A_75 = tpu.memref_slice %arg7[%dma_wait3A, %dma_wait3A_74] : memref<512x128xf32, #tpu.memory_space<vmem>> -> memref<128x128xf32, #tpu.memory_space<vmem>>
    %dma_wait3A_76 = arith.constant 0 : i32
    %dma_wait3A_77 = tpu.memref_slice %arg6[%dma_wait3A_76] : memref<512xi32, #tpu.memory_space<vmem>> -> memref<128xi32, #tpu.memory_space<vmem>>
    %dma_wait3A_78 = arith.constant 0 : i32
    %dma_wait3A_79 = arith.constant 0 : i32
    %dma_wait3A_80 = tpu.memref_slice %arg2[%dma_wait3A_78, %dma_wait3A_79] : memref<1024x128xf32, #tpu.memory_space<hbm>> -> memref<1024x128xf32, #tpu.memory_space<hbm>>
    tpu.wait_indirect_dma semaphore(%arg8 : memref<!tpu.dma_semaphore, #tpu.memory_space<semaphore_mem>>) src(%dma_wait3A_80 : memref<1024x128xf32, #tpu.memory_space<hbm>>) dst(%dma_wait3A_75 : memref<128x128xf32, #tpu.memory_space<vmem>>)
    %dma_wait3A_81 = arith.constant 128 : i32
    %dma_wait3A_82 = arith.constant 0 : i32
    %dma_wait3A_83 = tpu.memref_slice %arg7[%dma_wait3A_81, %dma_wait3A_82] : memref<512x128xf32, #tpu.memory_space<vmem>> -> memref<128x128xf32, #tpu.memory_space<vmem>>
    %dma_wait3A_84 = arith.constant 128 : i32
    %dma_wait3A_85 = tpu.memref_slice %arg6[%dma_wait3A_84] : memref<512xi32, #tpu.memory_space<vmem>> -> memref<128xi32, #tpu.memory_space<vmem>>
    %dma_wait3A_86 = arith.constant 0 : i32
    %dma_wait3A_87 = arith.constant 0 : i32
    %dma_wait3A_88 = tpu.memref_slice %arg2[%dma_wait3A_86, %dma_wait3A_87] : memref<1024x128xf32, #tpu.memory_space<hbm>> -> memref<1024x128xf32, #tpu.memory_space<hbm>>
    tpu.wait_indirect_dma semaphore(%arg8 : memref<!tpu.dma_semaphore, #tpu.memory_space<semaphore_mem>>) src(%dma_wait3A_88 : memref<1024x128xf32, #tpu.memory_space<hbm>>) dst(%dma_wait3A_83 : memref<128x128xf32, #tpu.memory_space<vmem>>)
    %dma_wait3A_89 = arith.constant 256 : i32
    %dma_wait3A_90 = arith.constant 0 : i32
    %dma_wait3A_91 = tpu.memref_slice %arg7[%dma_wait3A_89, %dma_wait3A_90] : memref<512x128xf32, #tpu.memory_space<vmem>> -> memref<128x128xf32, #tpu.memory_space<vmem>>
    %dma_wait3A_92 = arith.constant 256 : i32
    %dma_wait3A_93 = tpu.memref_slice %arg6[%dma_wait3A_92] : memref<512xi32, #tpu.memory_space<vmem>> -> memref<128xi32, #tpu.memory_space<vmem>>
    %dma_wait3A_94 = arith.constant 0 : i32
    %dma_wait3A_95 = arith.constant 0 : i32
    %dma_wait3A_96 = tpu.memref_slice %arg2[%dma_wait3A_94, %dma_wait3A_95] : memref<1024x128xf32, #tpu.memory_space<hbm>> -> memref<1024x128xf32, #tpu.memory_space<hbm>>
    tpu.wait_indirect_dma semaphore(%arg8 : memref<!tpu.dma_semaphore, #tpu.memory_space<semaphore_mem>>) src(%dma_wait3A_96 : memref<1024x128xf32, #tpu.memory_space<hbm>>) dst(%dma_wait3A_91 : memref<128x128xf32, #tpu.memory_space<vmem>>)
    %dma_wait3A_97 = arith.constant 384 : i32
    %dma_wait3A_98 = arith.constant 0 : i32
    %dma_wait3A_99 = tpu.memref_slice %arg7[%dma_wait3A_97, %dma_wait3A_98] : memref<512x128xf32, #tpu.memory_space<vmem>> -> memref<128x128xf32, #tpu.memory_space<vmem>>
    %dma_wait3A_100 = arith.constant 384 : i32
    %dma_wait3A_101 = tpu.memref_slice %arg6[%dma_wait3A_100] : memref<512xi32, #tpu.memory_space<vmem>> -> memref<128xi32, #tpu.memory_space<vmem>>
    %dma_wait3A_102 = arith.constant 0 : i32
    %dma_wait3A_103 = arith.constant 0 : i32
    %dma_wait3A_104 = tpu.memref_slice %arg2[%dma_wait3A_102, %dma_wait3A_103] : memref<1024x128xf32, #tpu.memory_space<hbm>> -> memref<1024x128xf32, #tpu.memory_space<hbm>>
    tpu.wait_indirect_dma semaphore(%arg8 : memref<!tpu.dma_semaphore, #tpu.memory_space<semaphore_mem>>) src(%dma_wait3A_104 : memref<1024x128xf32, #tpu.memory_space<hbm>>) dst(%dma_wait3A_99 : memref<128x128xf32, #tpu.memory_space<vmem>>)
    %mul3A_105 = arith.constant 512 : i32
    %mul3A_106 = arith.muli %add3A, %mul3A_105 : i32
    "tpu.region"() ({
      %run_scoped3A = tpu.sem_alloc : memref<!tpu.dma_semaphore, #tpu.memory_space<semaphore_mem>>
      %dma_start3A_107 = arith.constant 0 : i32
      %dma_start3A_108 = tpu.memref_slice %arg4[%mul3A_106, %dma_start3A_107] : memref<16384x128xf32, #tpu.memory_space<hbm>> -> memref<512x128xf32, #tpu.memory_space<hbm>>
      %dma_start3A_109 = arith.constant 0 : i32
      %dma_start3A_110 = tpu.memref_slice %arg4[%mul3A_106, %dma_start3A_109] : memref<16384x128xf32, #tpu.memory_space<hbm>> -> memref<512x128xf32, #tpu.memory_space<hbm>>
      tpu.enqueue_dma source(%arg7 : memref<512x128xf32, #tpu.memory_space<vmem>>) target(%dma_start3A_110 : memref<512x128xf32, #tpu.memory_space<hbm>>) target_semaphore(%run_scoped3A : memref<!tpu.dma_semaphore, #tpu.memory_space<semaphore_mem>>)
      %dma_wait3A_111 = arith.constant 0 : i32
      %dma_wait3A_112 = tpu.memref_slice %arg4[%mul3A_106, %dma_wait3A_111] : memref<16384x128xf32, #tpu.memory_space<hbm>> -> memref<512x128xf32, #tpu.memory_space<hbm>>
      %dma_wait3A_113 = arith.constant 0 : i32
      %dma_wait3A_114 = tpu.memref_slice %arg4[%mul3A_106, %dma_wait3A_113] : memref<16384x128xf32, #tpu.memory_space<hbm>> -> memref<512x128xf32, #tpu.memory_space<hbm>>
      tpu.wait_dma2 semaphore(%run_scoped3A : memref<!tpu.dma_semaphore, #tpu.memory_space<semaphore_mem>>) src(%arg7 : memref<512x128xf32, #tpu.memory_space<vmem>>) dst(%dma_wait3A_114 : memref<512x128xf32, #tpu.memory_space<hbm>>)
      tpu.yield
    }) : () -> ()
    return
  }
}

module attributes {stable_mosaic.version = 14 : i64} {
  func.func @_idx_kernel(%arg0: i32, %arg1: memref<1x768x2048xf32, #tpu.memory_space<vmem>>, %arg2: memref<64x768xf32, #tpu.memory_space<vmem>>, %arg3: memref<64x1xf32, #tpu.memory_space<vmem>>, %arg4: memref<64x1xf32, #tpu.memory_space<vmem>>, %arg5: memref<1024x64xf32, #tpu.memory_space<vmem>>, %arg6: memref<1x16x128xi32, #tpu.memory_space<vmem>>, %arg7: memref<1024x128xf32, #tpu.memory_space<vmem>>) attributes {dimension_semantics = [#tpu.dimension_semantics<arbitrary>], iteration_bounds = array<i64: 8>, scalar_prefetch = 0 : i64, scratch_operands = 0 : i64, tpu.core_type = #tpu.core_type<tc>, window_params = [{transform_indices = @transform_0, window_bounds = array<i64: 1, 768, 2048>}, {pipeline_mode = #tpu.pipeline_mode<synchronous>, transform_indices = @transform_1, window_bounds = array<i64: 64, 768>}, {pipeline_mode = #tpu.pipeline_mode<synchronous>, transform_indices = @transform_2, window_bounds = array<i64: 64, 1>}, {pipeline_mode = #tpu.pipeline_mode<synchronous>, transform_indices = @transform_3, window_bounds = array<i64: 64, 1>}, {pipeline_mode = #tpu.pipeline_mode<synchronous>, transform_indices = @transform_4, window_bounds = array<i64: 1024, 64>}, {transform_indices = @transform_5, window_bounds = array<i64: 1, 16, 128>}, {pipeline_mode = #tpu.pipeline_mode<synchronous>, transform_indices = @transform_6, window_bounds = array<i64: 1024, 128>}]} {
    %get3A = arith.constant 0 : index
    %get3A_0 = arith.constant 0 : index
    %get3A_1 = vector.load %arg2[%get3A, %get3A_0] : memref<64x768xf32, #tpu.memory_space<vmem>>, vector<64x768xf32>
    %get3A_2 = arith.constant 0 : index
    %get3A_3 = arith.constant 0 : index
    %get3A_4 = vector.load %arg3[%get3A_2, %get3A_3] : memref<64x1xf32, #tpu.memory_space<vmem>>, vector<64x1xf32>
    %mul3A = vector.broadcast %get3A_4 : vector<64x1xf32> to vector<64x768xf32>
    %mul3A_5 = arith.mulf %mul3A, %get3A_1 : vector<64x768xf32>
    %mul3A_6 = arith.mulf %get3A_1, %get3A_1 : vector<64x768xf32>
    %reduce_sum3A = arith.constant dense<0.000000e+00> : vector<64xf32>
    %reduce_sum3A_7 = vector.multi_reduction <add>, %mul3A_6, %reduce_sum3A [1] : vector<64x768xf32> to vector<64xf32>
    %broadcast_in_dim3A = vector.shape_cast %reduce_sum3A_7 : vector<64xf32> to vector<64x1xf32>
    %sqrt3A = math.sqrt %broadcast_in_dim3A : vector<64x1xf32>
    %max3A = arith.constant 9.99999996E-13 : f32
    %max3A_8 = vector.broadcast %max3A : f32 to vector<64x1xf32>
    %max3A_9 = arith.maximumf %sqrt3A, %max3A_8 : vector<64x1xf32>
    %div3A = vector.broadcast %max3A_9 : vector<64x1xf32> to vector<64x768xf32>
    %div3A_10 = arith.divf %mul3A_5, %div3A : vector<64x768xf32>
    %get3A_11 = arith.constant 0 : index
    %get3A_12 = arith.constant 0 : index
    %get3A_13 = vector.load %arg5[%get3A_11, %get3A_12] : memref<1024x64xf32, #tpu.memory_space<vmem>>, vector<1024x64xf32>
    %mul3A_14 = arith.mulf %get3A_13, %get3A_13 : vector<1024x64xf32>
    %reduce_sum3A_15 = arith.constant dense<0.000000e+00> : vector<1024xf32>
    %reduce_sum3A_16 = vector.multi_reduction <add>, %mul3A_14, %reduce_sum3A_15 [1] : vector<1024x64xf32> to vector<1024xf32>
    %broadcast_in_dim3A_17 = vector.shape_cast %reduce_sum3A_16 : vector<1024xf32> to vector<1024x1xf32>
    %sqrt3A_18 = math.sqrt %broadcast_in_dim3A_17 : vector<1024x1xf32>
    %max3A_19 = arith.constant 9.99999996E-13 : f32
    %max3A_20 = vector.broadcast %max3A_19 : f32 to vector<1024x1xf32>
    %max3A_21 = arith.maximumf %sqrt3A_18, %max3A_20 : vector<1024x1xf32>
    %div3A_22 = vector.broadcast %max3A_21 : vector<1024x1xf32> to vector<1024x64xf32>
    %div3A_23 = arith.divf %get3A_13, %div3A_22 : vector<1024x64xf32>
    %mul3A_24 = arith.mulf %div3A_23, %div3A_23 : vector<1024x64xf32>
    %reduce_sum3A_25 = arith.constant dense<0.000000e+00> : vector<1024xf32>
    %reduce_sum3A_26 = vector.multi_reduction <add>, %mul3A_24, %reduce_sum3A_25 [1] : vector<1024x64xf32> to vector<1024xf32>
    %broadcast_in_dim3A_27 = vector.shape_cast %reduce_sum3A_26 : vector<1024xf32> to vector<1024x1xf32>
    %swap3A = arith.constant 0 : index
    %swap3A_28 = arith.constant 0 : index
    %swap3A_29 = vector.load %arg7[%swap3A, %swap3A_28] : memref<1024x128xf32, #tpu.memory_space<vmem>>, vector<1024x64xf32>
    tpu.vector_store %arg7[%swap3A, %swap3A_28], %get3A_13 {strides = array<i32>} : memref<1024x128xf32, #tpu.memory_space<vmem>>, vector<1024x64xf32>,
    %broadcast_in_dim3A_30 = arith.constant 0.000000e+00 : f32
    %broadcast_in_dim3A_31 = vector.broadcast %broadcast_in_dim3A_30 : f32 to vector<1024x64xf32>
    %swap3A_32 = arith.constant 0 : index
    %swap3A_33 = arith.constant 64 : index
    %swap3A_34 = vector.load %arg7[%swap3A_32, %swap3A_33] : memref<1024x128xf32, #tpu.memory_space<vmem>>, vector<1024x64xf32>
    tpu.vector_store %arg7[%swap3A_32, %swap3A_33], %broadcast_in_dim3A_31 {strides = array<i32>} : memref<1024x128xf32, #tpu.memory_space<vmem>>, vector<1024x64xf32>,
    %get3A_35 = arith.constant 0 : index
    %get3A_36 = arith.constant 0 : index
    %get3A_37 = arith.constant 0 : index
    %get3A_38 = vector.load %arg1[%get3A_35, %get3A_36, %get3A_37] : memref<1x768x2048xf32, #tpu.memory_space<vmem>>, vector<1x768x2048xf32>
    %get3A_39 = vector.shape_cast %get3A_38 : vector<1x768x2048xf32> to vector<768x2048xf32>
    %dot_general3A = arith.constant dense<0.000000e+00> : vector<64x2048xf32>
    %dot_general3A_40 = tpu.matmul %div3A_10, %get3A_39, %dot_general3A {dimension_numbers = #tpu.dot_dimension_numbers<[1], [0], [0], [1], [0, 0, 1, 1], [], []>, transpose_lhs_hint = false} : vector<64x768xf32>, vector<768x2048xf32>, vector<64x2048xf32> -> vector<64x2048xf32>
    %get3A_41 = arith.constant 0 : index
    %get3A_42 = arith.constant 0 : index
    %get3A_43 = vector.load %arg4[%get3A_41, %get3A_42] : memref<64x1xf32, #tpu.memory_space<vmem>>, vector<64x1xf32>
    %add3A = vector.broadcast %get3A_43 : vector<64x1xf32> to vector<64x2048xf32>
    %add3A_44 = arith.addf %dot_general3A_40, %add3A : vector<64x2048xf32>
    %mul3A_45 = arith.mulf %add3A_44, %add3A_44 : vector<64x2048xf32>
    %reduce_sum3A_46 = arith.constant dense<0.000000e+00> : vector<2048xf32>
    %reduce_sum3A_47 = vector.multi_reduction <add>, %mul3A_45, %reduce_sum3A_46 [0] : vector<64x2048xf32> to vector<2048xf32>
    %broadcast_in_dim3A_48 = vector.shape_cast %reduce_sum3A_47 : vector<2048xf32> to vector<1x2048xf32>
    %sqrt3A_49 = math.sqrt %broadcast_in_dim3A_48 : vector<1x2048xf32>
    %max3A_50 = arith.constant 9.99999996E-13 : f32
    %max3A_51 = vector.broadcast %max3A_50 : f32 to vector<1x2048xf32>
    %max3A_52 = arith.maximumf %sqrt3A_49, %max3A_51 : vector<1x2048xf32>
    %div3A_53 = vector.broadcast %max3A_52 : vector<1x2048xf32> to vector<64x2048xf32>
    %div3A_54 = arith.divf %add3A_44, %div3A_53 : vector<64x2048xf32>
    %mul3A_55 = arith.mulf %div3A_54, %div3A_54 : vector<64x2048xf32>
    %reduce_sum3A_56 = arith.constant dense<0.000000e+00> : vector<2048xf32>
    %reduce_sum3A_57 = vector.multi_reduction <add>, %mul3A_55, %reduce_sum3A_56 [0] : vector<64x2048xf32> to vector<2048xf32>
    %broadcast_in_dim3A_58 = vector.shape_cast %reduce_sum3A_57 : vector<2048xf32> to vector<1x2048xf32>
    %mul3A_59 = arith.constant 2.000000e+00 : f32
    %mul3A_60 = vector.broadcast %mul3A_59 : f32 to vector<64x2048xf32>
    %mul3A_61 = arith.mulf %mul3A_60, %div3A_54 : vector<64x2048xf32>
    %dot_general3A_62 = arith.constant dense<0.000000e+00> : vector<1024x2048xf32>
    %dot_general3A_63 = tpu.matmul %div3A_23, %mul3A_61, %dot_general3A_62 {dimension_numbers = #tpu.dot_dimension_numbers<[1], [0], [0], [1], [0, 0, 1, 1], [], []>, transpose_lhs_hint = false} : vector<1024x64xf32>, vector<64x2048xf32>, vector<1024x2048xf32> -> vector<1024x2048xf32>
    %sub3A = vector.broadcast %broadcast_in_dim3A_58 : vector<1x2048xf32> to vector<1024x2048xf32>
    %sub3A_64 = arith.subf %sub3A, %dot_general3A_63 : vector<1024x2048xf32>
    %add3A_65 = vector.broadcast %broadcast_in_dim3A_27 : vector<1024x1xf32> to vector<1024x2048xf32>
    %add3A_66 = arith.addf %sub3A_64, %add3A_65 : vector<1024x2048xf32>
    %neg3A = arith.constant 0.000000e+00 : f32
    %neg3A_67 = vector.broadcast %neg3A : f32 to vector<1024x2048xf32>
    %neg3A_68 = arith.subf %neg3A_67, %add3A_66 : vector<1024x2048xf32>
    %reduce_max3A = arith.constant dense<0xFF800000> : vector<2048xf32>
    %reduce_max3A_69 = vector.multi_reduction <maximumf>, %neg3A_68, %reduce_max3A [0] : vector<1024x2048xf32> to vector<2048xf32>
    %broadcast_in_dim3A_70 = vector.shape_cast %reduce_max3A_69 : vector<2048xf32> to vector<1x2048xf32>
    %iota3A = tpu.iota {dimensions = array<i32: 0>} : vector<1024x2048xi32>
    %eq3A = vector.broadcast %broadcast_in_dim3A_70 : vector<1x2048xf32> to vector<1024x2048xf32>
    %eq3A_71 = arith.cmpf oeq, %neg3A_68, %eq3A : vector<1024x2048xf32>
    %jit3A = arith.constant 1024 : i32
    %broadcast_in_dim3A_72 = vector.broadcast %jit3A : i32 to vector<1024x2048xi32>
    %select_n3A = arith.select %eq3A_71, %iota3A, %broadcast_in_dim3A_72 : vector<1024x2048xi1>, vector<1024x2048xi32>
    %reduce_min3A = arith.constant dense<2147483647> : vector<2048xi32>
    %reduce_min3A_73 = vector.multi_reduction <minsi>, %select_n3A, %reduce_min3A [0] : vector<1024x2048xi32> to vector<2048xi32>
    %reshape3A = vector.shape_cast %reduce_min3A_73 : vector<2048xi32> to vector<16x128xi32>
    %swap3A_74 = arith.constant 0 : index
    %swap3A_75 = arith.constant 0 : index
    %swap3A_76 = arith.constant 0 : index
    %swap3A_77 = vector.load %arg6[%swap3A_74, %swap3A_75, %swap3A_76] : memref<1x16x128xi32, #tpu.memory_space<vmem>>, vector<1x16x128xi32>
    %swap3A_78 = vector.shape_cast %swap3A_77 : vector<1x16x128xi32> to vector<16x128xi32>
    %swap3A_79 = vector.shape_cast %reshape3A : vector<16x128xi32> to vector<1x16x128xi32>
    tpu.vector_store %arg6[%swap3A_74, %swap3A_75, %swap3A_76], %swap3A_79 {strides = array<i32>} : memref<1x16x128xi32, #tpu.memory_space<vmem>>, vector<1x16x128xi32>,
    return
  }
  func.func @transform_0(%arg0: i32) -> (i32, i32, i32) {
    %c0_i32 = arith.constant 0 : i32
    %c0_i32_0 = arith.constant 0 : i32
    %c0_i32_1 = arith.constant 0 : i32
    return %arg0, %c0_i32, %c0_i32_0 : i32, i32, i32
  }
  func.func @transform_1(%arg0: i32) -> (i32, i32) {
    %c0_i32 = arith.constant 0 : i32
    %c0_i32_0 = arith.constant 0 : i32
    %c0_i32_1 = arith.constant 0 : i32
    return %c0_i32, %c0_i32_0 : i32, i32
  }
  func.func @transform_2(%arg0: i32) -> (i32, i32) {
    %c0_i32 = arith.constant 0 : i32
    %c0_i32_0 = arith.constant 0 : i32
    %c0_i32_1 = arith.constant 0 : i32
    return %c0_i32, %c0_i32_0 : i32, i32
  }
  func.func @transform_3(%arg0: i32) -> (i32, i32) {
    %c0_i32 = arith.constant 0 : i32
    %c0_i32_0 = arith.constant 0 : i32
    %c0_i32_1 = arith.constant 0 : i32
    return %c0_i32, %c0_i32_0 : i32, i32
  }
  func.func @transform_4(%arg0: i32) -> (i32, i32) {
    %c0_i32 = arith.constant 0 : i32
    %c0_i32_0 = arith.constant 0 : i32
    %c0_i32_1 = arith.constant 0 : i32
    return %c0_i32, %c0_i32_0 : i32, i32
  }
  func.func @transform_5(%arg0: i32) -> (i32, i32, i32) {
    %c0_i32 = arith.constant 0 : i32
    %c0_i32_0 = arith.constant 0 : i32
    %c0_i32_1 = arith.constant 0 : i32
    return %arg0, %c0_i32, %c0_i32_0 : i32, i32, i32
  }
  func.func @transform_6(%arg0: i32) -> (i32, i32) {
    %c0_i32 = arith.constant 0 : i32
    %c0_i32_0 = arith.constant 0 : i32
    %c0_i32_1 = arith.constant 0 : i32
    return %c0_i32, %c0_i32_0 : i32, i32
  }
}

module attributes {stable_mosaic.version = 14 : i64} {
  func.func @_out_kernel(%arg0: i32, %arg1: memref<8x512x128xf32, #tpu.memory_space<vmem>>, %arg2: memref<768x64xf32, #tpu.memory_space<vmem>>, %arg3: memref<768x1xf32, #tpu.memory_space<vmem>>, %arg4: memref<768x1xf32, #tpu.memory_space<vmem>>, %arg5: memref<8x768x512xf32, #tpu.memory_space<vmem>>) attributes {dimension_semantics = [#tpu.dimension_semantics<arbitrary>], iteration_bounds = array<i64: 4>, scalar_prefetch = 0 : i64, scratch_operands = 0 : i64, tpu.core_type = #tpu.core_type<tc>, window_params = [{transform_indices = @transform_0, window_bounds = array<i64: 8, 512, 128>}, {pipeline_mode = #tpu.pipeline_mode<synchronous>, transform_indices = @transform_1, window_bounds = array<i64: 768, 64>}, {pipeline_mode = #tpu.pipeline_mode<synchronous>, transform_indices = @transform_2, window_bounds = array<i64: 768, 1>}, {pipeline_mode = #tpu.pipeline_mode<synchronous>, transform_indices = @transform_3, window_bounds = array<i64: 768, 1>}, {transform_indices = @transform_4, window_bounds = array<i64: 8, 768, 512>}]} {
    %get3A = arith.constant 0 : index
    %get3A_0 = arith.constant 0 : index
    %get3A_1 = vector.load %arg2[%get3A, %get3A_0] : memref<768x64xf32, #tpu.memory_space<vmem>>, vector<768x64xf32>
    %get3A_2 = arith.constant 0 : index
    %get3A_3 = arith.constant 0 : index
    %get3A_4 = vector.load %arg3[%get3A_2, %get3A_3] : memref<768x1xf32, #tpu.memory_space<vmem>>, vector<768x1xf32>
    %mul3A = vector.broadcast %get3A_4 : vector<768x1xf32> to vector<768x64xf32>
    %mul3A_5 = arith.mulf %mul3A, %get3A_1 : vector<768x64xf32>
    %mul3A_6 = arith.mulf %get3A_1, %get3A_1 : vector<768x64xf32>
    %reduce_sum3A = arith.constant dense<0.000000e+00> : vector<768xf32>
    %reduce_sum3A_7 = vector.multi_reduction <add>, %mul3A_6, %reduce_sum3A [1] : vector<768x64xf32> to vector<768xf32>
    %broadcast_in_dim3A = vector.shape_cast %reduce_sum3A_7 : vector<768xf32> to vector<768x1xf32>
    %sqrt3A = math.sqrt %broadcast_in_dim3A : vector<768x1xf32>
    %max3A = arith.constant 9.99999996E-13 : f32
    %max3A_8 = vector.broadcast %max3A : f32 to vector<768x1xf32>
    %max3A_9 = arith.maximumf %sqrt3A, %max3A_8 : vector<768x1xf32>
    %div3A = vector.broadcast %max3A_9 : vector<768x1xf32> to vector<768x64xf32>
    %div3A_10 = arith.divf %mul3A_5, %div3A : vector<768x64xf32>
    %get3A_11 = arith.constant 0 : index
    %get3A_12 = arith.constant 0 : index
    %get3A_13 = arith.constant 0 : index
    %get3A_14 = vector.load %arg1[%get3A_11, %get3A_12, %get3A_13] : memref<8x512x128xf32, #tpu.memory_space<vmem>>, vector<1x512x128xf32>
    %get3A_15 = vector.shape_cast %get3A_14 : vector<1x512x128xf32> to vector<512x128xf32>
    %slice3A = vector.extract_strided_slice %get3A_15 {offsets = [0, 0], sizes = [512, 64], strides = [1, 1]} : vector<512x128xf32> to vector<512x64xf32>
    %dot_general3A = arith.constant dense<0.000000e+00> : vector<768x512xf32>
    %dot_general3A_16 = tpu.matmul %div3A_10, %slice3A, %dot_general3A {dimension_numbers = #tpu.dot_dimension_numbers<[1], [1], [0], [0], [0, 0, 1, 0], [], []>, transpose_lhs_hint = false} : vector<768x64xf32>, vector<512x64xf32>, vector<768x512xf32> -> vector<768x512xf32>
    %get3A_17 = arith.constant 0 : index
    %get3A_18 = arith.constant 0 : index
    %get3A_19 = vector.load %arg4[%get3A_17, %get3A_18] : memref<768x1xf32, #tpu.memory_space<vmem>>, vector<768x1xf32>
    %add3A = vector.broadcast %get3A_19 : vector<768x1xf32> to vector<768x512xf32>
    %add3A_20 = arith.addf %dot_general3A_16, %add3A : vector<768x512xf32>
    %swap3A = arith.constant 0 : index
    %swap3A_21 = arith.constant 0 : index
    %swap3A_22 = arith.constant 0 : index
    %swap3A_23 = vector.load %arg5[%swap3A, %swap3A_21, %swap3A_22] : memref<8x768x512xf32, #tpu.memory_space<vmem>>, vector<1x768x512xf32>
    %swap3A_24 = vector.shape_cast %swap3A_23 : vector<1x768x512xf32> to vector<768x512xf32>
    %swap3A_25 = vector.shape_cast %add3A_20 : vector<768x512xf32> to vector<1x768x512xf32>
    tpu.vector_store %arg5[%swap3A, %swap3A_21, %swap3A_22], %swap3A_25 {strides = array<i32>} : memref<8x768x512xf32, #tpu.memory_space<vmem>>, vector<1x768x512xf32>,
    %get3A_26 = arith.constant 1 : index
    %get3A_27 = arith.constant 0 : index
    %get3A_28 = arith.constant 0 : index
    %get3A_29 = vector.load %arg1[%get3A_26, %get3A_27, %get3A_28] : memref<8x512x128xf32, #tpu.memory_space<vmem>>, vector<1x512x128xf32>
    %get3A_30 = vector.shape_cast %get3A_29 : vector<1x512x128xf32> to vector<512x128xf32>
    %slice3A_31 = vector.extract_strided_slice %get3A_30 {offsets = [0, 0], sizes = [512, 64], strides = [1, 1]} : vector<512x128xf32> to vector<512x64xf32>
    %dot_general3A_32 = arith.constant dense<0.000000e+00> : vector<768x512xf32>
    %dot_general3A_33 = tpu.matmul %div3A_10, %slice3A_31, %dot_general3A_32 {dimension_numbers = #tpu.dot_dimension_numbers<[1], [1], [0], [0], [0, 0, 1, 0], [], []>, transpose_lhs_hint = false} : vector<768x64xf32>, vector<512x64xf32>, vector<768x512xf32> -> vector<768x512xf32>
    %get3A_34 = arith.constant 0 : index
    %get3A_35 = arith.constant 0 : index
    %get3A_36 = vector.load %arg4[%get3A_34, %get3A_35] : memref<768x1xf32, #tpu.memory_space<vmem>>, vector<768x1xf32>
    %add3A_37 = vector.broadcast %get3A_36 : vector<768x1xf32> to vector<768x512xf32>
    %add3A_38 = arith.addf %dot_general3A_33, %add3A_37 : vector<768x512xf32>
    %swap3A_39 = arith.constant 1 : index
    %swap3A_40 = arith.constant 0 : index
    %swap3A_41 = arith.constant 0 : index
    %swap3A_42 = vector.load %arg5[%swap3A_39, %swap3A_40, %swap3A_41] : memref<8x768x512xf32, #tpu.memory_space<vmem>>, vector<1x768x512xf32>
    %swap3A_43 = vector.shape_cast %swap3A_42 : vector<1x768x512xf32> to vector<768x512xf32>
    %swap3A_44 = vector.shape_cast %add3A_38 : vector<768x512xf32> to vector<1x768x512xf32>
    tpu.vector_store %arg5[%swap3A_39, %swap3A_40, %swap3A_41], %swap3A_44 {strides = array<i32>} : memref<8x768x512xf32, #tpu.memory_space<vmem>>, vector<1x768x512xf32>,
    %get3A_45 = arith.constant 2 : index
    %get3A_46 = arith.constant 0 : index
    %get3A_47 = arith.constant 0 : index
    %get3A_48 = vector.load %arg1[%get3A_45, %get3A_46, %get3A_47] : memref<8x512x128xf32, #tpu.memory_space<vmem>>, vector<1x512x128xf32>
    %get3A_49 = vector.shape_cast %get3A_48 : vector<1x512x128xf32> to vector<512x128xf32>
    %slice3A_50 = vector.extract_strided_slice %get3A_49 {offsets = [0, 0], sizes = [512, 64], strides = [1, 1]} : vector<512x128xf32> to vector<512x64xf32>
    %dot_general3A_51 = arith.constant dense<0.000000e+00> : vector<768x512xf32>
    %dot_general3A_52 = tpu.matmul %div3A_10, %slice3A_50, %dot_general3A_51 {dimension_numbers = #tpu.dot_dimension_numbers<[1], [1], [0], [0], [0, 0, 1, 0], [], []>, transpose_lhs_hint = false} : vector<768x64xf32>, vector<512x64xf32>, vector<768x512xf32> -> vector<768x512xf32>
    %get3A_53 = arith.constant 0 : index
    %get3A_54 = arith.constant 0 : index
    %get3A_55 = vector.load %arg4[%get3A_53, %get3A_54] : memref<768x1xf32, #tpu.memory_space<vmem>>, vector<768x1xf32>
    %add3A_56 = vector.broadcast %get3A_55 : vector<768x1xf32> to vector<768x512xf32>
    %add3A_57 = arith.addf %dot_general3A_52, %add3A_56 : vector<768x512xf32>
    %swap3A_58 = arith.constant 2 : index
    %swap3A_59 = arith.constant 0 : index
    %swap3A_60 = arith.constant 0 : index
    %swap3A_61 = vector.load %arg5[%swap3A_58, %swap3A_59, %swap3A_60] : memref<8x768x512xf32, #tpu.memory_space<vmem>>, vector<1x768x512xf32>
    %swap3A_62 = vector.shape_cast %swap3A_61 : vector<1x768x512xf32> to vector<768x512xf32>
    %swap3A_63 = vector.shape_cast %add3A_57 : vector<768x512xf32> to vector<1x768x512xf32>
    tpu.vector_store %arg5[%swap3A_58, %swap3A_59, %swap3A_60], %swap3A_63 {strides = array<i32>} : memref<8x768x512xf32, #tpu.memory_space<vmem>>, vector<1x768x512xf32>,
    %get3A_64 = arith.constant 3 : index
    %get3A_65 = arith.constant 0 : index
    %get3A_66 = arith.constant 0 : index
    %get3A_67 = vector.load %arg1[%get3A_64, %get3A_65, %get3A_66] : memref<8x512x128xf32, #tpu.memory_space<vmem>>, vector<1x512x128xf32>
    %get3A_68 = vector.shape_cast %get3A_67 : vector<1x512x128xf32> to vector<512x128xf32>
    %slice3A_69 = vector.extract_strided_slice %get3A_68 {offsets = [0, 0], sizes = [512, 64], strides = [1, 1]} : vector<512x128xf32> to vector<512x64xf32>
    %dot_general3A_70 = arith.constant dense<0.000000e+00> : vector<768x512xf32>
    %dot_general3A_71 = tpu.matmul %div3A_10, %slice3A_69, %dot_general3A_70 {dimension_numbers = #tpu.dot_dimension_numbers<[1], [1], [0], [0], [0, 0, 1, 0], [], []>, transpose_lhs_hint = false} : vector<768x64xf32>, vector<512x64xf32>, vector<768x512xf32> -> vector<768x512xf32>
    %get3A_72 = arith.constant 0 : index
    %get3A_73 = arith.constant 0 : index
    %get3A_74 = vector.load %arg4[%get3A_72, %get3A_73] : memref<768x1xf32, #tpu.memory_space<vmem>>, vector<768x1xf32>
    %add3A_75 = vector.broadcast %get3A_74 : vector<768x1xf32> to vector<768x512xf32>
    %add3A_76 = arith.addf %dot_general3A_71, %add3A_75 : vector<768x512xf32>
    %swap3A_77 = arith.constant 3 : index
    %swap3A_78 = arith.constant 0 : index
    %swap3A_79 = arith.constant 0 : index
    %swap3A_80 = vector.load %arg5[%swap3A_77, %swap3A_78, %swap3A_79] : memref<8x768x512xf32, #tpu.memory_space<vmem>>, vector<1x768x512xf32>
    %swap3A_81 = vector.shape_cast %swap3A_80 : vector<1x768x512xf32> to vector<768x512xf32>
    %swap3A_82 = vector.shape_cast %add3A_76 : vector<768x512xf32> to vector<1x768x512xf32>
    tpu.vector_store %arg5[%swap3A_77, %swap3A_78, %swap3A_79], %swap3A_82 {strides = array<i32>} : memref<8x768x512xf32, #tpu.memory_space<vmem>>, vector<1x768x512xf32>,
    %get3A_83 = arith.constant 4 : index
    %get3A_84 = arith.constant 0 : index
    %get3A_85 = arith.constant 0 : index
    %get3A_86 = vector.load %arg1[%get3A_83, %get3A_84, %get3A_85] : memref<8x512x128xf32, #tpu.memory_space<vmem>>, vector<1x512x128xf32>
    %get3A_87 = vector.shape_cast %get3A_86 : vector<1x512x128xf32> to vector<512x128xf32>
    %slice3A_88 = vector.extract_strided_slice %get3A_87 {offsets = [0, 0], sizes = [512, 64], strides = [1, 1]} : vector<512x128xf32> to vector<512x64xf32>
    %dot_general3A_89 = arith.constant dense<0.000000e+00> : vector<768x512xf32>
    %dot_general3A_90 = tpu.matmul %div3A_10, %slice3A_88, %dot_general3A_89 {dimension_numbers = #tpu.dot_dimension_numbers<[1], [1], [0], [0], [0, 0, 1, 0], [], []>, transpose_lhs_hint = false} : vector<768x64xf32>, vector<512x64xf32>, vector<768x512xf32> -> vector<768x512xf32>
    %get3A_91 = arith.constant 0 : index
    %get3A_92 = arith.constant 0 : index
    %get3A_93 = vector.load %arg4[%get3A_91, %get3A_92] : memref<768x1xf32, #tpu.memory_space<vmem>>, vector<768x1xf32>
    %add3A_94 = vector.broadcast %get3A_93 : vector<768x1xf32> to vector<768x512xf32>
    %add3A_95 = arith.addf %dot_general3A_90, %add3A_94 : vector<768x512xf32>
    %swap3A_96 = arith.constant 4 : index
    %swap3A_97 = arith.constant 0 : index
    %swap3A_98 = arith.constant 0 : index
    %swap3A_99 = vector.load %arg5[%swap3A_96, %swap3A_97, %swap3A_98] : memref<8x768x512xf32, #tpu.memory_space<vmem>>, vector<1x768x512xf32>
    %swap3A_100 = vector.shape_cast %swap3A_99 : vector<1x768x512xf32> to vector<768x512xf32>
    %swap3A_101 = vector.shape_cast %add3A_95 : vector<768x512xf32> to vector<1x768x512xf32>
    tpu.vector_store %arg5[%swap3A_96, %swap3A_97, %swap3A_98], %swap3A_101 {strides = array<i32>} : memref<8x768x512xf32, #tpu.memory_space<vmem>>, vector<1x768x512xf32>,
    %get3A_102 = arith.constant 5 : index
    %get3A_103 = arith.constant 0 : index
    %get3A_104 = arith.constant 0 : index
    %get3A_105 = vector.load %arg1[%get3A_102, %get3A_103, %get3A_104] : memref<8x512x128xf32, #tpu.memory_space<vmem>>, vector<1x512x128xf32>
    %get3A_106 = vector.shape_cast %get3A_105 : vector<1x512x128xf32> to vector<512x128xf32>
    %slice3A_107 = vector.extract_strided_slice %get3A_106 {offsets = [0, 0], sizes = [512, 64], strides = [1, 1]} : vector<512x128xf32> to vector<512x64xf32>
    %dot_general3A_108 = arith.constant dense<0.000000e+00> : vector<768x512xf32>
    %dot_general3A_109 = tpu.matmul %div3A_10, %slice3A_107, %dot_general3A_108 {dimension_numbers = #tpu.dot_dimension_numbers<[1], [1], [0], [0], [0, 0, 1, 0], [], []>, transpose_lhs_hint = false} : vector<768x64xf32>, vector<512x64xf32>, vector<768x512xf32> -> vector<768x512xf32>
    %get3A_110 = arith.constant 0 : index
    %get3A_111 = arith.constant 0 : index
    %get3A_112 = vector.load %arg4[%get3A_110, %get3A_111] : memref<768x1xf32, #tpu.memory_space<vmem>>, vector<768x1xf32>
    %add3A_113 = vector.broadcast %get3A_112 : vector<768x1xf32> to vector<768x512xf32>
    %add3A_114 = arith.addf %dot_general3A_109, %add3A_113 : vector<768x512xf32>
    %swap3A_115 = arith.constant 5 : index
    %swap3A_116 = arith.constant 0 : index
    %swap3A_117 = arith.constant 0 : index
    %swap3A_118 = vector.load %arg5[%swap3A_115, %swap3A_116, %swap3A_117] : memref<8x768x512xf32, #tpu.memory_space<vmem>>, vector<1x768x512xf32>
    %swap3A_119 = vector.shape_cast %swap3A_118 : vector<1x768x512xf32> to vector<768x512xf32>
    %swap3A_120 = vector.shape_cast %add3A_114 : vector<768x512xf32> to vector<1x768x512xf32>
    tpu.vector_store %arg5[%swap3A_115, %swap3A_116, %swap3A_117], %swap3A_120 {strides = array<i32>} : memref<8x768x512xf32, #tpu.memory_space<vmem>>, vector<1x768x512xf32>,
    %get3A_121 = arith.constant 6 : index
    %get3A_122 = arith.constant 0 : index
    %get3A_123 = arith.constant 0 : index
    %get3A_124 = vector.load %arg1[%get3A_121, %get3A_122, %get3A_123] : memref<8x512x128xf32, #tpu.memory_space<vmem>>, vector<1x512x128xf32>
    %get3A_125 = vector.shape_cast %get3A_124 : vector<1x512x128xf32> to vector<512x128xf32>
    %slice3A_126 = vector.extract_strided_slice %get3A_125 {offsets = [0, 0], sizes = [512, 64], strides = [1, 1]} : vector<512x128xf32> to vector<512x64xf32>
    %dot_general3A_127 = arith.constant dense<0.000000e+00> : vector<768x512xf32>
    %dot_general3A_128 = tpu.matmul %div3A_10, %slice3A_126, %dot_general3A_127 {dimension_numbers = #tpu.dot_dimension_numbers<[1], [1], [0], [0], [0, 0, 1, 0], [], []>, transpose_lhs_hint = false} : vector<768x64xf32>, vector<512x64xf32>, vector<768x512xf32> -> vector<768x512xf32>
    %get3A_129 = arith.constant 0 : index
    %get3A_130 = arith.constant 0 : index
    %get3A_131 = vector.load %arg4[%get3A_129, %get3A_130] : memref<768x1xf32, #tpu.memory_space<vmem>>, vector<768x1xf32>
    %add3A_132 = vector.broadcast %get3A_131 : vector<768x1xf32> to vector<768x512xf32>
    %add3A_133 = arith.addf %dot_general3A_128, %add3A_132 : vector<768x512xf32>
    %swap3A_134 = arith.constant 6 : index
    %swap3A_135 = arith.constant 0 : index
    %swap3A_136 = arith.constant 0 : index
    %swap3A_137 = vector.load %arg5[%swap3A_134, %swap3A_135, %swap3A_136] : memref<8x768x512xf32, #tpu.memory_space<vmem>>, vector<1x768x512xf32>
    %swap3A_138 = vector.shape_cast %swap3A_137 : vector<1x768x512xf32> to vector<768x512xf32>
    %swap3A_139 = vector.shape_cast %add3A_133 : vector<768x512xf32> to vector<1x768x512xf32>
    tpu.vector_store %arg5[%swap3A_134, %swap3A_135, %swap3A_136], %swap3A_139 {strides = array<i32>} : memref<8x768x512xf32, #tpu.memory_space<vmem>>, vector<1x768x512xf32>,
    %get3A_140 = arith.constant 7 : index
    %get3A_141 = arith.constant 0 : index
    %get3A_142 = arith.constant 0 : index
    %get3A_143 = vector.load %arg1[%get3A_140, %get3A_141, %get3A_142] : memref<8x512x128xf32, #tpu.memory_space<vmem>>, vector<1x512x128xf32>
    %get3A_144 = vector.shape_cast %get3A_143 : vector<1x512x128xf32> to vector<512x128xf32>
    %slice3A_145 = vector.extract_strided_slice %get3A_144 {offsets = [0, 0], sizes = [512, 64], strides = [1, 1]} : vector<512x128xf32> to vector<512x64xf32>
    %dot_general3A_146 = arith.constant dense<0.000000e+00> : vector<768x512xf32>
    %dot_general3A_147 = tpu.matmul %div3A_10, %slice3A_145, %dot_general3A_146 {dimension_numbers = #tpu.dot_dimension_numbers<[1], [1], [0], [0], [0, 0, 1, 0], [], []>, transpose_lhs_hint = false} : vector<768x64xf32>, vector<512x64xf32>, vector<768x512xf32> -> vector<768x512xf32>
    %get3A_148 = arith.constant 0 : index
    %get3A_149 = arith.constant 0 : index
    %get3A_150 = vector.load %arg4[%get3A_148, %get3A_149] : memref<768x1xf32, #tpu.memory_space<vmem>>, vector<768x1xf32>
    %add3A_151 = vector.broadcast %get3A_150 : vector<768x1xf32> to vector<768x512xf32>
    %add3A_152 = arith.addf %dot_general3A_147, %add3A_151 : vector<768x512xf32>
    %swap3A_153 = arith.constant 7 : index
    %swap3A_154 = arith.constant 0 : index
    %swap3A_155 = arith.constant 0 : index
    %swap3A_156 = vector.load %arg5[%swap3A_153, %swap3A_154, %swap3A_155] : memref<8x768x512xf32, #tpu.memory_space<vmem>>, vector<1x768x512xf32>
    %swap3A_157 = vector.shape_cast %swap3A_156 : vector<1x768x512xf32> to vector<768x512xf32>
    %swap3A_158 = vector.shape_cast %add3A_152 : vector<768x512xf32> to vector<1x768x512xf32>
    tpu.vector_store %arg5[%swap3A_153, %swap3A_154, %swap3A_155], %swap3A_158 {strides = array<i32>} : memref<8x768x512xf32, #tpu.memory_space<vmem>>, vector<1x768x512xf32>,
    return
  }
  func.func @transform_0(%arg0: i32) -> (i32, i32, i32) {
    %c0_i32 = arith.constant 0 : i32
    %c0_i32_0 = arith.constant 0 : i32
    %c0_i32_1 = arith.constant 0 : i32
    return %c0_i32, %arg0, %c0_i32_0 : i32, i32, i32
  }
  func.func @transform_1(%arg0: i32) -> (i32, i32) {
    %c0_i32 = arith.constant 0 : i32
    %c0_i32_0 = arith.constant 0 : i32
    %c0_i32_1 = arith.constant 0 : i32
    return %c0_i32, %c0_i32_0 : i32, i32
  }
  func.func @transform_2(%arg0: i32) -> (i32, i32) {
    %c0_i32 = arith.constant 0 : i32
    %c0_i32_0 = arith.constant 0 : i32
    %c0_i32_1 = arith.constant 0 : i32
    return %c0_i32, %c0_i32_0 : i32, i32
  }
  func.func @transform_3(%arg0: i32) -> (i32, i32) {
    %c0_i32 = arith.constant 0 : i32
    %c0_i32_0 = arith.constant 0 : i32
    %c0_i32_1 = arith.constant 0 : i32
    return %c0_i32, %c0_i32_0 : i32, i32
  }
  func.func @transform_4(%arg0: i32) -> (i32, i32, i32) {
    %c0_i32 = arith.constant 0 : i32
    %c0_i32_0 = arith.constant 0 : i32
    %c0_i32_1 = arith.constant 0 : i32
    return %c0_i32, %c0_i32_0, %arg0 : i32, i32, i32
  }
}

</mosaic_0001>

<sc_bundles>
// kernel: kernel.5.cloned.1.call-start
scs
__scs_entry_jumppad:
0x0: {  	(pc) =	sbr.rel $0x88, $3  }
0x1: {  	(tag) =	ssettag $0x0;
	lr =	simm.s32 $0x1  }
0x2: {  	[smem:$0x3F99] =	sst lr;
	_ =	strace $0xD0000000  }
0x3: {  	_ = 	snop  }
0x4: {  	_ = 	snop  }
0x5: {  	_ = 	snop  }
0x6: {  	_ = 	snop  }
0x7: {  	_ = 	snop  }
__scs_overlays_trampoline_lowered:
0x8: {  	[smem:$0x3FA8] =	sst s0  }
0x9: {  	[smem:$0x3FA9] =	sst s1  }
0xa: {  	[smem:$0x3FAA] =	sst s2  }
0xb: {  	[smem:$0x3FAB] =	sst s3  }
0xc: {  	[smem:$0x3FAC] =	sst s4  }
0xd: {  	[smem:$0x3FAD] =	sst s5  }
0xe: {  	[smem:$0x3FAE] =	sst s6  }
0xf: {  	[smem:$0x3FAF] =	sst s7  }
0x10: {  	[smem:$0x3FB0] =	sst s8  }
0x11: {  	[smem:$0x3FB1] =	sst s9;
	s0 =	simm.s32 @!p0 $0x0  }
0x12: {  	s1 =	sld [smem:$0x3F97];
	s0 =	simm.s32 @p0 $0x1  }
0x13: {  	[smem:$0x3FB2] =	sst s0;
	s0 =	simm.s32 @!p1 $0x0  }
0x14: {  	s2 =	sld [smem:$0x3F96];
	s0 =	simm.s32 @p1 $0x1  }
0x15: {  	[smem:$0x3FB3] =	sst s0;
	s0 =	simm.s32 @!p2 $0x0  }
0x16: {  	s3 =	sld [smem:$0x3FDB];
	s0 =	simm.s32 @p2 $0x1  }
0x17: {  	s4 =	simm.s32 $0x1BF5;
	[smem:$0x3FB5] =	sst s0  }
0x18: {  	s0 =	sld [smem:$0x3F98];
	_ =	swait.ge [sflag:s4], $0x0  }
0x19: {  	s7 =	sld [smem:$0x3F99]  }
0x1a: {  	s8 =	sadd.s32 $0xFFFFE003, lr  }
0x1b: {  	s9 =	sadd.s32 $0xFFFFFEF7, lr;
	s5 =	simm.s32 $0xFFFFFFFF;
	p2 =	slt.u32 s8, $0xFFFFF086  }
0x1c: {  	p1 =	slt.u32 s9, $0xF7A;
	s5 =	simm.s32 @!p2 $0x0  }
0x1d: {  	s5 =	simm.s32 @p1 $0x1;
	p0 =	seq.s32 s7, s2  }
0x1e: {  	s7 =	smul.u32 @!p0 $0xF7A, s2;
	p2 =	seq.s32 @!p0 s5, $0x0  }
0x1f: {  	s9 =	smul.u32 $0xF7A, s1;
	s8 =	simm.s32 @!p0 $0x1BF5;
	p2 =	por !p2, p0  }
0x20: {  	[sflag:s8] =	ssyncset.s32 @!p0 $0xFFFFF086;
	s6 =	sadd.s32 @!p0 s3, s7;
	s7 =	simm.s32 @!p0 $0x108  }
0x21: {  	s3 =	sadd.s32 s3, s9;
	s6 =	sadd.s32 @!p0 $0x88, s6;
	s7 =	simm.s32 @p2 $0x1082  }
0x22: {  	[simem:s7], [sflag:s8] =	dma.local @!p0 [hbm:s6], $0xF7A  }
0x23: {  	s9 =	sor.u32 $0xD0000000, s2;
	s6 =	simm.s32 $0x108;
	_ =	swait.ge @!p0 [sflag:s8], $0x0  }
0x24: {  	s3 =	sadd.s32 $0x88, s3;
	s6 =	simm.s32 @!p1 $0x1082;
	[sflag:s4] =	ssyncset.s32 $0xFFFFF086  }
0x25: {  	[simem:s6], [sflag:s4] =	dma.local [hbm:s3], $0xF7A  }
0x26: {  	[smem:$0x3F99] =	sst s1;
	(tag) =	ssettag s2;
	_ =	strace s9  }
0x27: {  	s1 =	sld [smem:$0x3FA9]  }
0x28: {  	s2 =	sld [smem:$0x3FAA]  }
0x29: {  	s4 =	sld [smem:$0x3FAC]  }
0x2a: {  	p0 =	seq.s32 s5, $0x0;
	s5 =	sld [smem:$0x3FAD]  }
0x2b: {  	s6 =	sld [smem:$0x3FAE]  }
0x2c: {  	s7 =	sld [smem:$0x3FAF]  }
0x2d: {  	s3 =	simm.s32 $0x108;
	s8 =	sld [smem:$0x3FB0]  }
0x2e: {  	s3 =	simm.s32 @!p0 $0x1082;
	s9 =	sld [smem:$0x3FB1]  }
0x2f: {  	lr =	sadd.s32 s0, s3;
	s0 =	sld [smem:$0x3FA8]  }
0x30: {  	s3 =	sld [smem:$0x3FAB]  }
0x31: {  	[smem:$0x3FB4] =	sst s10  }
0x32: {  	s10 =	sld [smem:$0x3FB2];
	_ =	sdelay $0x3  }
0x33: {  	p0 =	seq.s32 s10, $0x1;
	s10 =	sld [smem:$0x3FB4];
	_ =	sdelay $0x3  }
0x34: {  	[smem:$0x3FB4] =	sst s10  }
0x35: {  	s10 =	sld [smem:$0x3FB3];
	_ =	sdelay $0x3  }
0x36: {  	p1 =	seq.s32 s10, $0x1;
	s10 =	sld [smem:$0x3FB4];
	_ =	sdelay $0x3  }
0x37: {  	[smem:$0x3FB4] =	sst s10  }
0x38: {  	s10 =	sld [smem:$0x3FB5]  }
0x39: {  	_ = 	snop;
	(pc) =	sbr.ind lr, $3  }
0x3a: {  	_ = 	snop  }
0x3b: {  	_ = 	snop  }
0x3c: {  	p2 =	seq.s32 s10, $0x1;
	s10 =	sld [smem:$0x3FB4]  }
0x3d: {  	_ =	shalt  }
0x3e: {  	_ =	shalt  }
0x3f: {  	_ =	shalt  }
0x40: {  	_ =	shalt  }
0x41: {  	_ =	shalt  }
0x42: {  	_ =	shalt  }
0x43: {  	_ =	shalt  }
0x44: {  	_ =	shalt  }
0x45: {  	_ =	shalt  }
0x46: {  	_ =	shalt  }
0x47: {  	_ =	shalt  }
0x48: {  	_ =	shalt  }
0x49: {  	_ =	shalt  }
0x4a: {  	_ =	shalt  }
0x4b: {  	_ =	shalt  }
0x4c: {  	_ =	shalt  }
0x4d: {  	_ =	shalt  }
0x4e: {  	_ =	shalt  }
0x4f: {  	_ =	shalt  }
0x50: {  	_ =	shalt  }
0x51: {  	_ =	shalt  }
0x52: {  	_ =	shalt  }
0x53: {  	_ =	shalt  }
0x54: {  	_ =	shalt  }
0x55: {  	_ =	shalt  }
0x56: {  	_ =	shalt  }
0x57: {  	_ =	shalt  }
0x58: {  	_ =	shalt  }
0x59: {  	_ =	shalt  }
0x5a: {  	_ =	shalt  }
0x5b: {  	_ =	shalt  }
0x5c: {  	_ =	shalt  }
0x5d: {  	_ =	shalt  }
0x5e: {  	_ =	shalt  }
0x5f: {  	_ =	shalt  }
0x60: {  	_ =	shalt  }
0x61: {  	_ =	shalt  }
0x62: {  	_ =	shalt  }
0x63: {  	_ =	shalt  }
0x64: {  	_ =	shalt  }
0x65: {  	_ =	shalt  }
0x66: {  	_ =	shalt  }
0x67: {  	_ =	shalt  }
0x68: {  	_ =	shalt  }
0x69: {  	_ =	shalt  }
0x6a: {  	_ =	shalt  }
0x6b: {  	_ =	shalt  }
0x6c: {  	_ =	shalt  }
0x6d: {  	_ =	shalt  }
0x6e: {  	_ =	shalt  }
0x6f: {  	_ =	shalt  }
0x70: {  	_ =	shalt  }
0x71: {  	_ =	shalt  }
0x72: {  	_ =	shalt  }
0x73: {  	_ =	shalt  }
0x74: {  	_ =	shalt  }
0x75: {  	_ =	shalt  }
0x76: {  	_ =	shalt  }
0x77: {  	_ =	shalt  }
0x78: {  	_ =	shalt  }
0x79: {  	_ =	shalt  }
0x7a: {  	_ =	shalt  }
0x7b: {  	_ =	shalt  }
0x7c: {  	_ =	shalt  }
0x7d: {  	_ =	shalt  }
0x7e: {  	_ =	shalt  }
0x7f: {  	_ =	shalt  }
0x80: {  	_ =	shalt  }
0x81: {  	_ =	shalt  }
0x82: {  	_ =	shalt  }
0x83: {  	_ =	shalt  }
0x84: {  	_ =	shalt  }
0x85: {  	_ =	shalt  }
0x86: {  	_ =	shalt  }
0x87: {  	_ =	shalt  }
.Lfunc_end0:
.L_simem_size_0:
called_computation_lowered:
.L_overlay_start_0:
0x88: {  	s2 =	sld [smem:$0x3FD9]  }
0x89: {  	s3 =	sld [smem:$0x3FFE];
	_ =	sdelay $0x1  }
0x8a: {  	s1 =	srdreg.scid  }
0x8b: {  	s0 =	sand.u32 $0x1, s1  }
0x8c: {  	s14 =	sshll.u32 s0, $0xA;
	s2 =	sadd.s32 s3, s2  }
0x8d: {  	s2 =	sadd.s32 s2, s14  }
0x8e: {  	[smem:$0x3FC0] =	sst s2  }
0x8f: {  	_ = 	snop  }
0x90: {  	s2 =	sld [smem:$0x3FD0];
	_ =	sdelay $0x2  }
0x91: {  	s15 =	simm.s32 $0xA;
	s4 =	simm.s32 $0x10  }
0x92: {  	[smem:s4], [sflag:s15] =	dma.local [hbm:s2], $0x1  }
0x93: {  	_ =	swait.eq [sflag:s15], $0x1  }
0x94: {  	[sflag:s15] =	ssyncset.done $0x0  }
0x95: {  	s16 =	sld [smem:$0x10];
	[sflag:s15] =	ssyncadd.s32 $0xFFFFFFFF  }
0x96: {  	s17 =	sld [smem:$0x11];
	(tm) =	ssettm $0x1  }
0x97: {  	s18 =	sld [smem:$0x3FFB];
	_ =	sdelay $0x3  }
0x98: {  	_ =	strace s18  }
0x99: {  	s4 =	sld [smem:$0x3FFC];
	_ =	sdelay $0x3  }
0x9a: {  	_ =	strace s4  }
0x9b: {  	s4 =	sld [smem:$0x3FFD];
	_ =	sdelay $0x3  }
0x9c: {  	_ =	strace s4  }
0x9d: {  	_ =	strace $0x8FFFFFFF  }
0x9e: {  	s19 =	sld [smem:$0x3FDB];
	_ =	sdelay $0x1  }
0x9f: {  	s5 =	simm.s32 $_scs_section_size  }
0xa0: {  	s6 =	simm.s32 $_size__tile_overlayer_lowered;
	s7 =	simm.s32 $_tile_overlayer_lowered  }
0xa1: {  	s22 =	simm.s32 $0x1BFF;
	s21 =	sshll.u32 s7, $0x1;
	s4 =	sadd.s32 s5, s19  }
0xa2: {  	s8 =	simm.s32 $0x0;
	s20 =	sshll.u32 s6, $0x1;
	s6 =	sadd.s32 s21, s4  }
0xa3: {  	[timem:s8], [sflag:s22] =	dma.local [hbm:s6], s20  }
0xa4: {  	_ =	swait.ge [sflag:s22], s20  }
0xa5: {  	s5 =	ssub.s32 $0x0, s20;
	[sflag:s22] =	ssyncset.done $0x0  }
0xa6: {  	[sflag:s22] =	ssyncadd.s32 s5;
	_ =	sdelay $0x1  }
0xa7: {  	s23 =	simm.s32 $0x1B8B  }
0xa8: {  	_ =	swait.ge [sflag:s23], $0x1  }
0xa9: {  	[sflag:s23] =	ssyncset.done $0x0  }
0xaa: {  	s25 =	simm.s32 $0x1B8E;
	s24 =	sld [smem:$0x3FFE];
	[sflag:s23] =	ssyncadd.s32 $0xFFFFFFFF  }
0xab: {  	s26 =	simm.s32 $execute0_lowered;
	[smem:$0x3FD2] =	sst s25  }
0xac: {  	s6 =	sshll.u32 s26, $0x1;
	_ =	strace $0x80000046;
	[dreg:$0x1] =	wrdreg $0xFFFFFFFF  }
0xad: {  	s28 =	simm.s32 $_size_execute0_lowered;
	s4 =	sadd.s32 s4, s6;
	[dreg:$0x0] =	wrdreg $0x0  }
0xae: {  	s6 =	sshll.u32 s28, $0x1;
	[dreg:$0x2] =	wrdreg s4  }
0xaf: {  	[dreg:$0x3] =	wrdreg s6  }
0xb0: {  	[dreg:$0x4] =	wrdreg $0xC0  }
0xb1: {  	_ =	task [dreg:s8], $0x5FFFF  }
0xb2: {  	[dreg:$0x1] =	wrdreg $0xFFFFFFFF  }
0xb3: {  	[dreg:$0x0] =	wrdreg $0x60  }
0xb4: {  	[dreg:$0x2] =	wrdreg s24  }
0xb5: {  	[dreg:$0x3] =	wrdreg s16  }
0xb6: {  	[dreg:$0x4] =	wrdreg s17  }
0xb7: {  	[dreg:$0x5] =	wrdreg $0x9  }
0xb8: {  	_ =	task.clear_ibuf [dreg:s8], $0x6FFFF;
	_ =	strace $0x90000046  }
0xb9: {  	s29 =	simm.s32 $0x9;
	_ =	strace $0x80000048  }
0xba: {  	_ =	swait.ge [sflag:s29], $0x1  }
0xbb: {  	[sflag:s29] =	ssyncadd.s32 $0xFFFFFFFF  }
0xbc: {  	_ =	strace $0x90000048  }
0xbd: {  	_ =	sfence  }
0xbe: {  	s30 =	sld [smem:$0x0];
	_ =	sdelay $0x2  }
0xbf: {  	s31 =	sshll.u32 s1, $0xD;
	s1 =	sshrl.u32 s1, $0x2  }
0xc0: {  	s3 =	sand.u32 $0x4000, s31;
	s1 =	sadd.s32 s1, s30  }
0xc1: {  	s0 =	sor.u32 s3, s0;
	s1 =	sshll.u32 s1, $0x11  }
0xc2: {  	s0 =	sor.u32 s1, s0  }
0xc3: {  	s0 =	sadd.s32 $0x8F2B, s0  }
0xc4: {  	[sflag:s0] =	ssyncadd.remote.s32 $0x1  }
0xc5: {  	_ =	sfence.sel $0xFFFF  }
0xc6: {  	[dreg:$0x0] =	wrdreg $0xFFFFFFFF;
	(pc) =	sbr.abs _section_cstart, $3  }
0xc7: {  	[dreg:$0x1] =	wrdreg $0xFFFFFFFF  }
0xc8: {  	_ =	task.clear_ibuf [dreg:s8], $0x2FFFF;
	_ =	strace $0x9FFFFFFF  }
0xc9: {  	(tm) =	ssettm $0x7FFFFFFF  }
tec
execute0_lowered:
.L_overlay_start_1:
0x0: {  	(tag) =	ssettag $0x1  }
0x1: {  	s5 =	rddreg [dreg:$0x0]  }
0x2: {  	s1 =	srdreg.scid;
	s0 =	stileid.u32  }
0x3: {  	s18 =	rddreg [dreg:$0x1];
	s20 =	sand.u32 $0x1, s1;
	s30 =	sshll.u32 s0, $0x1  }
0x4: {  	s11 =	rddreg [dreg:$0x2];
	s19 =	sor.u32 s20, s30  }
0x5: {  	s2 =	simm.s32 $0x0;
	s1 =	rddreg [dreg:$0x3];
	s3 =	sshll.u32 s19, $0x6  }
0x6: {  	[smem:$0x7FF] =	sst s2;
	s3 =	sadd.s32 s3, s5  }
0x7: {  	_ =	strace $0x80000047;
	s4 =	sadd.s32 $0x5800, s3;
	s3 =	simm.s32 $0x2  }
0x8: {  	[tilespmem:s2], [sflag:$0x2] =	stream.linear.gather [hbm4b:s4+s2], $0x200, $0x38;
	[tilespmem:$0x10200] =	vst v63  }
0x9: {  	_ =	swait.ge [sflag:s3], $0x200  }
0xa: {  	s6 =	simm.s32 $0x80;
	s7 =	simm.s32 $0x200;
	[sflag:s3] =	ssyncset.done $0x0  }
0xb: {  	s8 =	sshll.u32 s19, $0x9;
	s5 =	sadd.s32 $0x1800, s5;
	[sflag:s3] =	ssyncadd.s32 $0xFFFFFE00  }
0xc: {  	[tilespmem:s7], [sflag:$0x1] =	stream.indirect.gather [hbm4b:s5+s6], $0x80, s2, s6, $0xb8;
	[tilespmem:$0x10200] =	vst v63  }
0xd: {  	s9 =	sshll.u32 s0, $0x3;
	s16 =	sand.u32 $0x600, s8;
	s8 =	simm.s32 $0x4200  }
0xe: {  	[tilespmem:s8], [sflag:$0x1] =	stream.indirect.gather [hbm4b:s5+s6], $0x80, s6, s6, $0xb8;
	[tilespmem:$0x10200] =	vst v63  }
0xf: {  	s10 =	simm.s32 $0x8200;
	s12 =	sand.u32 $0x70, s9;
	s9 =	simm.s32 $0x100  }
0x10: {  	[tilespmem:s10], [sflag:$0x1] =	stream.indirect.gather [hbm4b:s5+s6], $0x80, s9, s6, $0xb8;
	[tilespmem:$0x10200] =	vst v63  }
0x11: {  	s17 =	sadd.s32 s11, s12;
	s11 =	simm.s32 $0x180;
	s12 =	simm.s32 $0xC200  }
0x12: {  	[tilespmem:s12], [sflag:$0x1] =	stream.indirect.gather [hbm4b:s5+s6], $0x80, s11, s6, $0xb8;
	[tilespmem:$0x10200] =	vst v63  }
0x13: {  	s13 =	sadd.s32 s16, s17  }
0x14: {  	[hbm4b:s13+s2] =	stream.linear.scatter [tilespmem:s2], [sflag:$0x2], $0x80, $0x38;
	[tilespmem:$0x10200] =	vst v63  }
0x15: {  	_ =	swait.ge [sflag:s3], $0x80  }
0x16: {  	s14 =	sor.u32 $0x80, s16;
	[sflag:s3] =	ssyncset.done $0x0  }
0x17: {  	s14 =	sadd.s32 s17, s14;
	[sflag:s3] =	ssyncadd.s32 $0xFFFFFF80  }
0x18: {  	[hbm4b:s14+s2] =	stream.linear.scatter [tilespmem:s6], [sflag:$0x2], $0x80, $0x38;
	[tilespmem:$0x10200] =	vst v63  }
0x19: {  	_ =	swait.ge [sflag:s3], $0x80  }
0x1a: {  	s15 =	sor.u32 $0x100, s16;
	[sflag:s3] =	ssyncset.done $0x0  }
0x1b: {  	s15 =	sadd.s32 s17, s15;
	[sflag:s3] =	ssyncadd.s32 $0xFFFFFF80  }
0x1c: {  	[hbm4b:s15+s2] =	stream.linear.scatter [tilespmem:s9], [sflag:$0x2], $0x80, $0x38;
	[tilespmem:$0x10200] =	vst v63  }
0x1d: {  	_ =	swait.ge [sflag:s3], $0x80  }
0x1e: {  	s16 =	sor.u32 $0x180, s16;
	[sflag:s3] =	ssyncset.done $0x0  }
0x1f: {  	s16 =	sadd.s32 s17, s16;
	[sflag:s3] =	ssyncadd.s32 $0xFFFFFF80  }
0x20: {  	[hbm4b:s16+s2] =	stream.linear.scatter [tilespmem:s11], [sflag:$0x2], $0x80, $0x38;
	[tilespmem:$0x10200] =	vst v63  }
0x21: {  	_ =	swait.ge [sflag:s3], $0x80  }
0x22: {  	[sflag:s3] =	ssyncset.done $0x0  }
0x23: {  	s17 =	simm.s32 $0x1;
	[sflag:s3] =	ssyncadd.s32 $0xFFFFFF80  }
0x24: {  	_ =	swait.ge [sflag:s17], $0x4000  }
0x25: {  	[sflag:s17] =	ssyncset.done $0x0  }
0x26: {  	[sflag:s17] =	ssyncadd.s32 $0xFFFFC000  }
0x27: {  	_ =	swait.ge [sflag:s17], $0x4000  }
0x28: {  	[sflag:s17] =	ssyncset.done $0x0  }
0x29: {  	s20 =	ssub.s32 $0x2, s20;
	[sflag:s17] =	ssyncadd.s32 $0xFFFFC000  }
0x2a: {  	s21 =	sshrl.u32 s20, $0x1;
	_ =	swait.ge [sflag:s17], $0x4000  }
0x2b: {  	s20 =	ssub.s32 s20, s21;
	[sflag:s17] =	ssyncset.done $0x0  }
0x2c: {  	s31 =	smax.u32 s20, $0x1;
	[sflag:s17] =	ssyncadd.s32 $0xFFFFC000  }
0x2d: {  	p0 =	sne.s32 s31, $0x1;
	_ =	swait.ge [sflag:s17], $0x4000  }
.Ltmp0:
0x2e: {  	s19 =	sshll.u32 s19, $0xD;
	[sflag:s17] =	ssyncset.done $0x0;
	(pc) =	sbr.rel @!p0 .LBB2_2-.Ltmp0, $4  }
0x2f: {  	s18 =	sadd.s32 s18, s19;
	[sflag:s17] =	ssyncadd.s32 $0xFFFFC000  }
0x30: {  	[hbm4b:s18+s2] =	stream.linear.scatter [tilespmem:s7], [sflag:$0x2], $0x10000, $0x38;
	[tilespmem:$0x10200] =	vst v63  }
0x31: {  	_ =	swait.ge [sflag:s3], $0x10000  }
0x32: {  	s19 =	sadd.s32 $0xFFFFFFFF, s31;
	[sflag:s3] =	ssyncset.done $0x0  }
.LBB2_1:
0x33: {  	p0 =	sne.s32 s19, $0x1;
	s19 =	sadd.s32 $0xFFFFFFFF, s19;
	[sflag:s3] =	ssyncadd.s32 $0xFFFF0000  }
0x34: {  	[tilespmem:s2], [sflag:$0x2] =	stream.linear.gather [hbm4b:s4+s2], $0x200, $0x38;
	[tilespmem:$0x10200] =	vst v63  }
0x35: {  	_ =	swait.ge [sflag:s3], $0x200  }
0x36: {  	[sflag:s3] =	ssyncset.done $0x0  }
0x37: {  	[sflag:s3] =	ssyncadd.s32 $0xFFFFFE00  }
0x38: {  	[tilespmem:s7], [sflag:$0x1] =	stream.indirect.gather [hbm4b:s5+s6], $0x80, s2, s6, $0xb8;
	[tilespmem:$0x10200] =	vst v63  }
0x39: {  	_ = 	snop  }
0x3a: {  	[tilespmem:s8], [sflag:$0x1] =	stream.indirect.gather [hbm4b:s5+s6], $0x80, s6, s6, $0xb8;
	[tilespmem:$0x10200] =	vst v63  }
0x3b: {  	_ = 	snop  }
0x3c: {  	[tilespmem:s10], [sflag:$0x1] =	stream.indirect.gather [hbm4b:s5+s6], $0x80, s9, s6, $0xb8;
	[tilespmem:$0x10200] =	vst v63  }
0x3d: {  	_ = 	snop  }
0x3e: {  	[tilespmem:s12], [sflag:$0x1] =	stream.indirect.gather [hbm4b:s5+s6], $0x80, s11, s6, $0xb8;
	[tilespmem:$0x10200] =	vst v63  }
0x3f: {  	_ = 	snop  }
0x40: {  	[hbm4b:s13+s2] =	stream.linear.scatter [tilespmem:s2], [sflag:$0x2], $0x80, $0x38;
	[tilespmem:$0x10200] =	vst v63  }
0x41: {  	_ =	swait.ge [sflag:s3], $0x80  }
0x42: {  	[sflag:s3] =	ssyncset.done $0x0  }
0x43: {  	[sflag:s3] =	ssyncadd.s32 $0xFFFFFF80  }
0x44: {  	[hbm4b:s14+s2] =	stream.linear.scatter [tilespmem:s6], [sflag:$0x2], $0x80, $0x38;
	[tilespmem:$0x10200] =	vst v63  }
0x45: {  	_ =	swait.ge [sflag:s3], $0x80  }
0x46: {  	[sflag:s3] =	ssyncset.done $0x0  }
0x47: {  	[sflag:s3] =	ssyncadd.s32 $0xFFFFFF80  }
0x48: {  	[hbm4b:s15+s2] =	stream.linear.scatter [tilespmem:s9], [sflag:$0x2], $0x80, $0x38;
	[tilespmem:$0x10200] =	vst v63  }
0x49: {  	_ =	swait.ge [sflag:s3], $0x80  }
0x4a: {  	[sflag:s3] =	ssyncset.done $0x0  }
0x4b: {  	[sflag:s3] =	ssyncadd.s32 $0xFFFFFF80  }
0x4c: {  	[hbm4b:s16+s2] =	stream.linear.scatter [tilespmem:s11], [sflag:$0x2], $0x80, $0x38;
	[tilespmem:$0x10200] =	vst v63  }
0x4d: {  	_ =	swait.ge [sflag:s3], $0x80  }
0x4e: {  	[sflag:s3] =	ssyncset.done $0x0  }
0x4f: {  	[sflag:s3] =	ssyncadd.s32 $0xFFFFFF80  }
0x50: {  	_ =	swait.ge [sflag:s17], $0x4000  }
0x51: {  	[sflag:s17] =	ssyncset.done $0x0  }
0x52: {  	[sflag:s17] =	ssyncadd.s32 $0xFFFFC000  }
0x53: {  	_ =	swait.ge [sflag:s17], $0x4000  }
0x54: {  	[sflag:s17] =	ssyncset.done $0x0  }
0x55: {  	[sflag:s17] =	ssyncadd.s32 $0xFFFFC000  }
0x56: {  	_ =	swait.ge [sflag:s17], $0x4000  }
0x57: {  	[sflag:s17] =	ssyncset.done $0x0  }
0x58: {  	[sflag:s17] =	ssyncadd.s32 $0xFFFFC000  }
0x59: {  	_ =	swait.ge [sflag:s17], $0x4000  }
.Ltmp1:
0x5a: {  	[sflag:s17] =	ssyncset.done $0x0;
	(pc) =	sbr.rel @p0 .LBB2_1-.Ltmp1, $4  }
0x5b: {  	[sflag:s17] =	ssyncadd.s32 $0xFFFFC000  }
0x5c: {  	[hbm4b:s18+s2] =	stream.linear.scatter [tilespmem:s7], [sflag:$0x2], $0x10000, $0x38;
	[tilespmem:$0x10200] =	vst v63  }
0x5d: {  	_ =	swait.ge [sflag:s3], $0x10000  }
0x5e: {  	[sflag:s3] =	ssyncset.done $0x0  }
.LBB2_2:
0x5f: {  	[sflag:s3] =	ssyncadd.s32 $0xFFFF0000  }
0x60: {  	_ =	sfence.sel $0x180000  }
0x61: {  	[bflag:$0x0] =	sbarrier.arrive $0xFFFF  }
0x62: {  	p0 =	sne.s32 s0, $0x0;
	_ =	strace $0x90000047  }
0x63: {  	s0 =	sadd.s32 @!p0 $0x100000, s1;
	[bflag:$0x2] =	sbarrier.arrive $0xFFFF  }
0x64: {  	[sflag:s0] =	ssyncadd.tile.s32 @!p0 $0x1;
	_ =	shalt  }
.Lfunc_end2:
_tile_overlayer_lowered:
.L_overlay_start_2:
0x65: {  	(tag) =	ssettag $0x2  }
0x66: {  	s0 =	rddreg [dreg:$0x0];
	s2 =	stileid.u32  }
0x67: {  	s1 =	rddreg [dreg:$0x1];
	p0 =	sne.s32 s2, $0x0  }
0x68: {  	s3 =	rddreg [dreg:$0x2];
	[bflag:$0x3] =	sbarrier.arrive $0xFFFF;
	s2 =	simm.s32 @!p0 $0x1C02  }
0x69: {  	[timem:s3], [sflag:s2] =	dma.local @!p0 [hbm:s0], s1  }
0x6a: {  	s0 =	simm.s32 @!p0 $0x2  }
0x6b: {  	_ =	swait.ge @!p0 [sflag:s0], s1  }
0x6c: {  	s1 =	ssub.s32 @!p0 $0x0, s1;
	[sflag:s0] =	ssyncset.done @!p0 $0x0  }
0x6d: {  	[sflag:s0] =	ssyncadd.s32 @!p0 s1  }
0x6e: {  	[bflag:$0x3] =	sbarrier.arrive $0xFFFF  }
0x6f: {  	_ =	shalt  }

</sc_bundles>
